<compile_context>
chip_gen: v7x
topology: tpu7x:2x2x1
jax: 0.10.2.dev20260603
libtpu: 0.0.44.dev20260713+nightly
codegen_flags: <defaults>
</compile_context>

<pallas_src>
import functools

import jax
import jax.numpy as jnp
from jax import lax
from jax.experimental import pallas as pl
from jax.experimental.pallas import tpu as pltpu
from jax.experimental.pallas import tpu_sc as plsc

_NC = 2
_NS = 16
_NW = _NC * _NS
_CH = 128
_NB = 2
_RB = 128
_NST = 2


_DN_NT = (((1,), (1,)), ((), ()))


def _mm_body(x_ref, w1_ref, wg_ref, out_ref):
    h = jnp.maximum(
        lax.dot_general(x_ref[...], w1_ref[...], _DN_NT,
                        preferred_element_type=jnp.float32), 0.0)
    out_ref[...] = lax.dot_general(h, wg_ref[...], _DN_NT,
                                   preferred_element_type=jnp.float32)


def _make_pad_body(ept, ept_pad, n, n_pad):
    def _pad_body(conn_ref, out_ref):
        out_ref[:, 0, 0, :ept] = conn_ref[:, 0, 0, :]
        iota = lax.broadcasted_iota(jnp.int32, (1, ept_pad - ept), 1)
        out_ref[0:1, 0, 0, ept:] = iota % n
        out_ref[1:2, 0, 0, ept:] = n + iota % (n_pad - n)
    return _pad_body


def _norm_body(acc_ref, out_ref):
    s = acc_ref[0] + acc_ref[1]
    nrm = jnp.sqrt(jnp.sum(s * s, axis=1, keepdims=True))
    out_ref[...] = s / nrm


def _make_sc_scatter(n_rows, n_pad, d, n_chunks):
    mesh = plsc.VectorSubcoreMesh(core_axis_name="c", subcore_axis_name="s")
    rows_per_tile = n_pad // _NS
    n_copies = rows_per_tile // _RB

    @functools.partial(
        pl.kernel,
        mesh=mesh,
        out_type=jax.ShapeDtypeStruct((_NC, n_pad, d), jnp.float32),
        scratch_types=[
            pltpu.VMEM((n_chunks // _NST, _CH), jnp.int32),
            pltpu.VMEM((n_chunks // _NST, _CH), jnp.int32),
        ]
        + [pltpu.VMEM((_CH, d), jnp.float32) for _ in range(_NB)]
        + [pltpu.VMEM_SHARED((n_pad, d), jnp.float32)]
        + [pltpu.SemaphoreType.DMA for _ in range(_NB)],
    )
    def sc_kernel(hw_hbm, src_hbm, dst_hbm, out_hbm,
                  src_v, dst_v, *rest):
        rows = rest[:_NB]
        acc = rest[_NB]
        gsem = rest[_NB + 1:]
        cid = lax.axis_index("c")
        sid = lax.axis_index("s")
        wid = cid * _NS + sid

        zvec = jnp.zeros((16,), jnp.float32)

        def zstore(i, _):
            r = i // (d // 16)
            l = (i % (d // 16)) * 16
            rows[0][r, pl.ds(l, 16)] = zvec
            return 0

        lax.fori_loop(0, _RB * (d // 16), zstore, 0)

        def zcopy(k, _):
            pltpu.sync_copy(rows[0].at[pl.ds(0, _RB)],
                            acc.at[pl.ds(sid * rows_per_tile + k * _RB, _RB)])
            return 0

        lax.fori_loop(0, n_copies, zcopy, 0)
        plsc.subcore_barrier()

        n_half = n_chunks // _NST

        hw_c = hw_hbm

        n_pairs = n_half // 2

        def half(h, _):
            pltpu.sync_copy(src_hbm.at[wid].at[h], src_v)
            pltpu.sync_copy(dst_hbm.at[wid].at[h], dst_v)
            pltpu.async_copy(hw_c.at[src_v.at[0]], rows[0], gsem[0])

            def body(jj, _):
                j = 2 * jj
                pltpu.make_async_copy(hw_c.at[src_v.at[j]], rows[0], gsem[0]).wait()
                pltpu.async_copy(hw_c.at[src_v.at[j + 1]], rows[1], gsem[1])
                pltpu.sync_copy(rows[0], acc.at[dst_v.at[j]], add=True)
                pltpu.make_async_copy(
                    hw_c.at[src_v.at[j + 1]], rows[1], gsem[1]).wait()

                @pl.when(jj + 1 < n_pairs)
                def _():
                    pltpu.async_copy(hw_c.at[src_v.at[j + 2]], rows[0], gsem[0])

                pltpu.sync_copy(rows[1], acc.at[dst_v.at[j + 1]], add=True)
                return 0

            lax.fori_loop(0, n_pairs, body, 0)
            return 0

        lax.fori_loop(0, _NST, half, 0)
        plsc.subcore_barrier()

        def wb(k, _):
            off = sid * rows_per_tile + k * _RB
            pltpu.sync_copy(acc.at[pl.ds(off, _RB)], rows[0].at[pl.ds(0, _RB)])
            pltpu.sync_copy(rows[0].at[pl.ds(0, _RB)],
                            out_hbm.at[cid].at[pl.ds(off, _RB)])
            return 0

        lax.fori_loop(0, n_copies, wb, 0)

    return sc_kernel


def kernel(x, conn, W1, Wg):
    n, d = x.shape
    e = conn.shape[1]

    blk = 1000
    n_blk = n // blk
    hw = pl.pallas_call(
        _mm_body,
        grid=(n_blk,),
        in_specs=[
            pl.BlockSpec((blk, d), lambda i: (i, 0)),
            pl.BlockSpec((d, d), lambda i: (0, 0)),
            pl.BlockSpec((d, d), lambda i: (0, 0)),
        ],
        out_specs=pl.BlockSpec((blk, d), lambda i: (i, 0)),
        out_shape=jax.ShapeDtypeStruct((n, d), jnp.float32),
    )(x, W1, Wg)

    ept = e // _NW
    n_chunks = -(-ept // _CH)
    n_chunks = -(-n_chunks // (_NST * _NB)) * (_NST * _NB)
    ept_pad = n_chunks * _CH
    n_pad = -(-(n + 1) // (_NS * _RB)) * (_NS * _RB)
    conn_pad = pl.pallas_call(
        _make_pad_body(ept, ept_pad, n, n_pad),
        grid=(_NW,),
        in_specs=[pl.BlockSpec((2, 1, 1, ept), lambda t: (0, t, 0, 0))],
        out_specs=pl.BlockSpec((2, 1, 1, ept_pad), lambda t: (0, t, 0, 0)),
        out_shape=jax.ShapeDtypeStruct((2, _NW, 1, ept_pad), jnp.int32),
    )(conn.reshape(2, _NW, 1, ept))
    srcb = conn_pad[0].reshape(_NW, _NST, n_chunks // _NST, _CH)
    dstb = conn_pad[1].reshape(_NW, _NST, n_chunks // _NST, _CH)
    partials = _make_sc_scatter(n, n_pad, d, n_chunks)(hw, srcb, dstb)

    out = pl.pallas_call(
        _norm_body,
        grid=(n_blk,),
        in_specs=[pl.BlockSpec((_NC, blk, d), lambda i: (0, i, 0))],
        out_specs=pl.BlockSpec((blk, d), lambda i: (i, 0)),
        out_shape=jax.ShapeDtypeStruct((n, d), jnp.float32),
    )(partials)
    return out

# --- scband reference (transcript-rebuilt; emitter-appended) ---
"""Pipeline reference for scband-gccn-2-63917703299194 (READ-ONLY COPY).

The authoritative reference and input builder live on the scoring server;
editing this copy changes nothing except your own understanding.
"""

import jax, jax.numpy as jnp
import numpy as np

N = 10000
E = 320000
D = 128

def setup_inputs(seed: int = 0) -> dict:
    key = jax.random.key(seed)
    k1, k2, k3, k4 = jax.random.split(key, 4)
    x = jax.random.normal(k1, (N, D), dtype=jnp.float32)
    conn = jax.random.randint(k2, (2, E), 0, N, dtype=jnp.int32)
    # linear_1: nn.Linear(128, 128, bias=False) -> weight [out, in]
    W1 = jax.random.normal(k3, (D, D), dtype=jnp.float32) * (1.0 / np.sqrt(D))
    # GeodesicLayer weight (GCN-style graph conv: transform then aggregate)
    Wg = jax.random.normal(k4, (D, D), dtype=jnp.float32) * (1.0 / np.sqrt(D))
    return {"x": x, "conn": conn, "W1": W1, "Wg": Wg}

def reference(x, conn, W1, Wg):
    # res = F.relu(self.linear_1(x))
    h = jax.nn.relu(x @ W1.T)
    # GeodesicLayer: GCN-style message passing over edge_index conn[2, E]
    # transform node features once, then gather from src and scatter-add into dst
    hw = h @ Wg.T
    src = conn[0]
    dst = conn[1]
    msgs = jnp.take(hw, src, axis=0)
    res = jnp.zeros((x.shape[0], Wg.shape[0]), dtype=x.dtype).at[dst].add(msgs)
    # norm = torch.norm(res.squeeze(), dim=-1, keepdim=True); return res / norm
    norm = jnp.linalg.norm(res, axis=-1, keepdims=True)
    return res / norm

if __name__ == "__main__":
    import jax
    _d = setup_inputs()
    print(jax.jit(kernel)(*tuple(_d.values())))

</pallas_src>

<mosaic_0001>
#map = affine_map<(d0, d1) -> (0, 0)>
#map1 = affine_map<(d0, d1) -> (0, 0, 0, 0)>
#map2 = affine_map<(d0, d1) -> (0, 0, 0)>
module attributes {stable_mosaic.version = 14 : i64} {
  func.func @sc_kernel(%arg0: i32, %arg1: i32, %arg2: memref<10000x128xf32, #tpu.memory_space<hbm>>, %arg3: memref<32x2x40x128xi32, #tpu.memory_space<hbm>>, %arg4: memref<32x2x40x128xi32, #tpu.memory_space<hbm>>, %arg5: memref<2x10240x128xf32, #tpu.memory_space<hbm>>, %arg6: memref<40x128xi32, #tpu.memory_space<vmem>>, %arg7: memref<40x128xi32, #tpu.memory_space<vmem>>, %arg8: memref<128x128xf32, #tpu.memory_space<vmem>>, %arg9: memref<128x128xf32, #tpu.memory_space<vmem>>, %arg10: memref<10240x128xf32, #tpu.memory_space<vmem_shared>>, %arg11: memref<!tpu.dma_semaphore, #tpu.memory_space<semaphore_mem>>, %arg12: memref<!tpu.dma_semaphore, #tpu.memory_space<semaphore_mem>>) attributes {dimension_semantics = [#tpu.dimension_semantics<core_parallel>, #tpu.dimension_semantics<subcore_parallel>], iteration_bounds = array<i64: 2, 16>, scalar_prefetch = 0 : i64, scratch_operands = 7 : i64, tpu.core_type = #tpu.core_type<sc_vector_subcore>, window_params = [{transform_indices = #map}, {transform_indices = #map1}, {transform_indices = #map1}, {transform_indices = #map2}]} {
    %mul3A = arith.constant 16 : i32
    %mul3A_0 = arith.muli %arg0, %mul3A : i32
    %add3A = arith.addi %mul3A_0, %arg1 : i32
    %broadcast_in_dim3A = arith.constant 0.000000e+00 : f32
    %broadcast_in_dim3A_1 = vector.broadcast %broadcast_in_dim3A : f32 to vector<16xf32>
    %scan3A = arith.constant 0 : i32
    %scan3A_2 = arith.constant 0 : i32
    %scan3A_3 = arith.constant 1024 : i32
    %scan3A_4 = arith.addi %scan3A_2, %scan3A_3 : i32
    %scan3A_5 = arith.constant 1 : i32
    %scan3A_6 = scf.for %scan3A_30 = %scan3A_2 to %scan3A_4 step %scan3A_5 iter_args(%scan3A_31 = %scan3A) -> (i32)  : i32 {
      %jit3A = arith.constant 8 : i32
      %div3A = arith.divsi %scan3A_30, %jit3A : i32
      %sign3A = arith.constant 0 : i32
      %sign3A_32 = arith.cmpi sgt, %scan3A_30, %sign3A : i32
      %sign3A_33 = arith.extui %sign3A_32 : i1 to i32
      %sign3A_34 = arith.constant 0 : i32
      %sign3A_35 = arith.cmpi slt, %scan3A_30, %sign3A_34 : i32
      %sign3A_36 = arith.extui %sign3A_35 : i1 to i32
      %sign3A_37 = arith.subi %sign3A_33, %sign3A_36 : i32
      %sign3A_38 = arith.constant 0 : i32
      %sign3A_39 = arith.cmpi sgt, %jit3A, %sign3A_38 : i32
      %sign3A_40 = arith.extui %sign3A_39 : i1 to i32
      %sign3A_41 = arith.constant 0 : i32
      %sign3A_42 = arith.cmpi slt, %jit3A, %sign3A_41 : i32
      %sign3A_43 = arith.extui %sign3A_42 : i1 to i32
      %sign3A_44 = arith.subi %sign3A_40, %sign3A_43 : i32
      %ne3A = arith.cmpi ne, %sign3A_37, %sign3A_44 : i32
      %rem3A = arith.remsi %scan3A_30, %jit3A : i32
      %ne3A_45 = arith.constant 0 : i32
      %ne3A_46 = arith.cmpi ne, %rem3A, %ne3A_45 : i32
      %and3A = arith.andi %ne3A, %ne3A_46 : i1
      %sub3A = arith.constant 1 : i32
      %sub3A_47 = arith.subi %div3A, %sub3A : i32
      %select_n3A = arith.select %and3A, %sub3A_47, %div3A : i32
      %jit3A_48 = arith.constant 8 : i32
      %eq3A = arith.constant 0 : i32
      %eq3A_49 = arith.cmpi eq, %jit3A_48, %eq3A : i32
      %jit3A_50 = arith.constant 1 : i32
      %select_n3A_51 = arith.select %eq3A_49, %jit3A_50, %jit3A_48 : i32
      %rem3A_52 = arith.remsi %scan3A_30, %select_n3A_51 : i32
      %ne3A_53 = arith.constant 0 : i32
      %ne3A_54 = arith.cmpi ne, %rem3A_52, %ne3A_53 : i32
      %lt3A = arith.constant 0 : i32
      %lt3A_55 = arith.cmpi slt, %rem3A_52, %lt3A : i32
      %lt3A_56 = arith.constant 0 : i32
      %lt3A_57 = arith.cmpi slt, %select_n3A_51, %lt3A_56 : i32
      %ne3A_58 = arith.xori %lt3A_55, %lt3A_57 : i1
      %and3A_59 = arith.andi %ne3A_58, %ne3A_54 : i1
      %add3A_60 = arith.addi %rem3A_52, %select_n3A_51 : i32
      %select_n3A_61 = arith.select %and3A_59, %add3A_60, %rem3A_52 : i32
      %mul3A_62 = arith.constant 16 : i32
      %mul3A_63 = arith.muli %select_n3A_61, %mul3A_62 : i32
      %swap3A = arith.index_cast %select_n3A : i32 to index
      %swap3A_64 = arith.index_cast %mul3A_63 : i32 to index
      %swap3A_65 = tpu.vector_load %arg8[%swap3A, %swap3A_64] {strides = array<i32>} : memref<128x128xf32, #tpu.memory_space<vmem>>, vector<1x16xf32>,
      %swap3A_66 = vector.shape_cast %swap3A_65 : vector<1x16xf32> to vector<16xf32>
      %swap3A_67 = vector.shape_cast %broadcast_in_dim3A_1 : vector<16xf32> to vector<1x16xf32>
      tpu.vector_store %arg8[%swap3A, %swap3A_64], %swap3A_67 {strides = array<i32>} : memref<128x128xf32, #tpu.memory_space<vmem>>, vector<1x16xf32>,
      %scan3A_68 = arith.constant 0 : i32
      scf.yield %scan3A_68 : i32
    }
    %scan3A_7 = arith.constant 1024 : i32
    %scan3A_8 = arith.constant 0 : i32
    %scan3A_9 = arith.constant 0 : i32
    %scan3A_10 = arith.constant 5 : i32
    %scan3A_11 = arith.addi %scan3A_9, %scan3A_10 : i32
    %scan3A_12 = arith.constant 1 : i32
    %scan3A_13 = scf.for %scan3A_30 = %scan3A_9 to %scan3A_11 step %scan3A_12 iter_args(%scan3A_31 = %scan3A_8) -> (i32)  : i32 {
      %mul3A_32 = arith.constant 640 : i32
      %mul3A_33 = arith.muli %arg1, %mul3A_32 : i32
      %mul3A_34 = arith.constant 128 : i32
      %mul3A_35 = arith.muli %scan3A_30, %mul3A_34 : i32
      %add3A_36 = arith.addi %mul3A_33, %mul3A_35 : i32
      "tpu.region"() ({
        %run_scoped3A = tpu.sem_alloc : memref<!tpu.dma_semaphore, #tpu.memory_space<semaphore_mem>>
        %dma_start3A = arith.constant 0 : i32
        %dma_start3A_38 = arith.constant 0 : i32
        %dma_start3A_39 = tpu.memref_slice %arg8[%dma_start3A, %dma_start3A_38] : memref<128x128xf32, #tpu.memory_space<vmem>> -> memref<128x128xf32, #tpu.memory_space<vmem>>
        %dma_start3A_40 = arith.constant 0 : i32
        %dma_start3A_41 = tpu.memref_slice %arg10[%add3A_36, %dma_start3A_40] : memref<10240x128xf32, #tpu.memory_space<vmem_shared>> -> memref<128x128xf32, #tpu.memory_space<vmem_shared>>
        %dma_start3A_42 = arith.constant 0 : i32
        %dma_start3A_43 = tpu.memref_slice %arg10[%add3A_36, %dma_start3A_42] : memref<10240x128xf32, #tpu.memory_space<vmem_shared>> -> memref<128x128xf32, #tpu.memory_space<vmem_shared>>
        %dma_start3A_44 = arith.constant 0 : i32
        %dma_start3A_45 = arith.constant 0 : i32
        %dma_start3A_46 = tpu.memref_slice %arg8[%dma_start3A_44, %dma_start3A_45] : memref<128x128xf32, #tpu.memory_space<vmem>> -> memref<128x128xf32, #tpu.memory_space<vmem>>
        tpu.enqueue_dma source(%dma_start3A_46 : memref<128x128xf32, #tpu.memory_space<vmem>>) target(%dma_start3A_43 : memref<128x128xf32, #tpu.memory_space<vmem_shared>>) target_semaphore(%run_scoped3A : memref<!tpu.dma_semaphore, #tpu.memory_space<semaphore_mem>>)
        %dma_wait3A = arith.constant 0 : i32
        %dma_wait3A_47 = arith.constant 0 : i32
        %dma_wait3A_48 = tpu.memref_slice %arg8[%dma_wait3A, %dma_wait3A_47] : memref<128x128xf32, #tpu.memory_space<vmem>> -> memref<128x128xf32, #tpu.memory_space<vmem>>
        %dma_wait3A_49 = arith.constant 0 : i32
        %dma_wait3A_50 = tpu.memref_slice %arg10[%add3A_36, %dma_wait3A_49] : memref<10240x128xf32, #tpu.memory_space<vmem_shared>> -> memref<128x128xf32, #tpu.memory_space<vmem_shared>>
        %dma_wait3A_51 = arith.constant 0 : i32
        %dma_wait3A_52 = tpu.memref_slice %arg10[%add3A_36, %dma_wait3A_51] : memref<10240x128xf32, #tpu.memory_space<vmem_shared>> -> memref<128x128xf32, #tpu.memory_space<vmem_shared>>
        %dma_wait3A_53 = arith.constant 0 : i32
        %dma_wait3A_54 = arith.constant 0 : i32
        %dma_wait3A_55 = tpu.memref_slice %arg8[%dma_wait3A_53, %dma_wait3A_54] : memref<128x128xf32, #tpu.memory_space<vmem>> -> memref<128x128xf32, #tpu.memory_space<vmem>>
        tpu.wait_dma2 semaphore(%run_scoped3A : memref<!tpu.dma_semaphore, #tpu.memory_space<semaphore_mem>>) src(%dma_wait3A_55 : memref<128x128xf32, #tpu.memory_space<vmem>>) dst(%dma_wait3A_52 : memref<128x128xf32, #tpu.memory_space<vmem_shared>>)
        tpu.yield
      }) : () -> ()
      %scan3A_37 = arith.constant 0 : i32
      scf.yield %scan3A_37 : i32
    }
    %scan3A_14 = arith.constant 5 : i32
    %barrier3A = arith.constant 0 : index
    tpu.barrier barrier_id(%barrier3A)
    %scan3A_15 = arith.constant 0 : i32
    %scan3A_16 = arith.constant 0 : i32
    %scan3A_17 = arith.constant 2 : i32
    %scan3A_18 = arith.addi %scan3A_16, %scan3A_17 : i32
    %scan3A_19 = arith.constant 1 : i32
    %scan3A_20 = scf.for %scan3A_30 = %scan3A_16 to %scan3A_18 step %scan3A_19 iter_args(%scan3A_31 = %scan3A_15) -> (i32)  : i32 {
      "tpu.region"() ({
        %run_scoped3A = tpu.sem_alloc : memref<!tpu.dma_semaphore, #tpu.memory_space<semaphore_mem>>
        %dma_start3A_46 = arith.constant 0 : i32
        %dma_start3A_47 = arith.constant 0 : i32
        %dma_start3A_48 = arith.constant 0 : i32
        %dma_start3A_49 = tpu.memref_slice %arg3[%add3A, %dma_start3A_46, %dma_start3A_47, %dma_start3A_48] : memref<32x2x40x128xi32, #tpu.memory_space<hbm>> -> memref<1x2x40x128xi32, #tpu.memory_space<hbm>>
        %dma_start3A_50 = tpu.memref_squeeze %dma_start3A_49 : memref<1x2x40x128xi32, #tpu.memory_space<hbm>> -> memref<2x40x128xi32, #tpu.memory_space<hbm>>
        %dma_start3A_51 = arith.constant 0 : i32
        %dma_start3A_52 = arith.constant 0 : i32
        %dma_start3A_53 = tpu.memref_slice %dma_start3A_50[%scan3A_30, %dma_start3A_51, %dma_start3A_52] : memref<2x40x128xi32, #tpu.memory_space<hbm>> -> memref<1x40x128xi32, #tpu.memory_space<hbm>>
        %dma_start3A_54 = tpu.memref_squeeze %dma_start3A_53 : memref<1x40x128xi32, #tpu.memory_space<hbm>> -> memref<40x128xi32, #tpu.memory_space<hbm>>
        %dma_start3A_55 = arith.constant 0 : i32
        %dma_start3A_56 = arith.constant 0 : i32
        %dma_start3A_57 = arith.constant 0 : i32
        %dma_start3A_58 = tpu.memref_slice %arg3[%add3A, %dma_start3A_55, %dma_start3A_56, %dma_start3A_57] : memref<32x2x40x128xi32, #tpu.memory_space<hbm>> -> memref<1x2x40x128xi32, #tpu.memory_space<hbm>>
        %dma_start3A_59 = tpu.memref_squeeze %dma_start3A_58 : memref<1x2x40x128xi32, #tpu.memory_space<hbm>> -> memref<2x40x128xi32, #tpu.memory_space<hbm>>
        %dma_start3A_60 = arith.constant 0 : i32
        %dma_start3A_61 = arith.constant 0 : i32
        %dma_start3A_62 = tpu.memref_slice %dma_start3A_59[%scan3A_30, %dma_start3A_60, %dma_start3A_61] : memref<2x40x128xi32, #tpu.memory_space<hbm>> -> memref<1x40x128xi32, #tpu.memory_space<hbm>>
        %dma_start3A_63 = tpu.memref_squeeze %dma_start3A_62 : memref<1x40x128xi32, #tpu.memory_space<hbm>> -> memref<40x128xi32, #tpu.memory_space<hbm>>
        tpu.enqueue_dma source(%dma_start3A_63 : memref<40x128xi32, #tpu.memory_space<hbm>>) target(%arg6 : memref<40x128xi32, #tpu.memory_space<vmem>>) target_semaphore(%run_scoped3A : memref<!tpu.dma_semaphore, #tpu.memory_space<semaphore_mem>>)
        %dma_wait3A = arith.constant 0 : i32
        %dma_wait3A_64 = arith.constant 0 : i32
        %dma_wait3A_65 = arith.constant 0 : i32
        %dma_wait3A_66 = tpu.memref_slice %arg3[%add3A, %dma_wait3A, %dma_wait3A_64, %dma_wait3A_65] : memref<32x2x40x128xi32, #tpu.memory_space<hbm>> -> memref<1x2x40x128xi32, #tpu.memory_space<hbm>>
        %dma_wait3A_67 = tpu.memref_squeeze %dma_wait3A_66 : memref<1x2x40x128xi32, #tpu.memory_space<hbm>> -> memref<2x40x128xi32, #tpu.memory_space<hbm>>
        %dma_wait3A_68 = arith.constant 0 : i32
        %dma_wait3A_69 = arith.constant 0 : i32
        %dma_wait3A_70 = tpu.memref_slice %dma_wait3A_67[%scan3A_30, %dma_wait3A_68, %dma_wait3A_69] : memref<2x40x128xi32, #tpu.memory_space<hbm>> -> memref<1x40x128xi32, #tpu.memory_space<hbm>>
        %dma_wait3A_71 = tpu.memref_squeeze %dma_wait3A_70 : memref<1x40x128xi32, #tpu.memory_space<hbm>> -> memref<40x128xi32, #tpu.memory_space<hbm>>
        %dma_wait3A_72 = arith.constant 0 : i32
        %dma_wait3A_73 = arith.constant 0 : i32
        %dma_wait3A_74 = arith.constant 0 : i32
        %dma_wait3A_75 = tpu.memref_slice %arg3[%add3A, %dma_wait3A_72, %dma_wait3A_73, %dma_wait3A_74] : memref<32x2x40x128xi32, #tpu.memory_space<hbm>> -> memref<1x2x40x128xi32, #tpu.memory_space<hbm>>
        %dma_wait3A_76 = tpu.memref_squeeze %dma_wait3A_75 : memref<1x2x40x128xi32, #tpu.memory_space<hbm>> -> memref<2x40x128xi32, #tpu.memory_space<hbm>>
        %dma_wait3A_77 = arith.constant 0 : i32
        %dma_wait3A_78 = arith.constant 0 : i32
        %dma_wait3A_79 = tpu.memref_slice %dma_wait3A_76[%scan3A_30, %dma_wait3A_77, %dma_wait3A_78] : memref<2x40x128xi32, #tpu.memory_space<hbm>> -> memref<1x40x128xi32, #tpu.memory_space<hbm>>
        %dma_wait3A_80 = tpu.memref_squeeze %dma_wait3A_79 : memref<1x40x128xi32, #tpu.memory_space<hbm>> -> memref<40x128xi32, #tpu.memory_space<hbm>>
        tpu.wait_dma2 semaphore(%run_scoped3A : memref<!tpu.dma_semaphore, #tpu.memory_space<semaphore_mem>>) src(%dma_wait3A_80 : memref<40x128xi32, #tpu.memory_space<hbm>>) dst(%arg6 : memref<40x128xi32, #tpu.memory_space<vmem>>)
        tpu.yield
      }) : () -> ()
      "tpu.region"() ({
        %run_scoped3A = tpu.sem_alloc : memref<!tpu.dma_semaphore, #tpu.memory_space<semaphore_mem>>
        %dma_start3A_46 = arith.constant 0 : i32
        %dma_start3A_47 = arith.constant 0 : i32
        %dma_start3A_48 = arith.constant 0 : i32
        %dma_start3A_49 = tpu.memref_slice %arg4[%add3A, %dma_start3A_46, %dma_start3A_47, %dma_start3A_48] : memref<32x2x40x128xi32, #tpu.memory_space<hbm>> -> memref<1x2x40x128xi32, #tpu.memory_space<hbm>>
        %dma_start3A_50 = tpu.memref_squeeze %dma_start3A_49 : memref<1x2x40x128xi32, #tpu.memory_space<hbm>> -> memref<2x40x128xi32, #tpu.memory_space<hbm>>
        %dma_start3A_51 = arith.constant 0 : i32
        %dma_start3A_52 = arith.constant 0 : i32
        %dma_start3A_53 = tpu.memref_slice %dma_start3A_50[%scan3A_30, %dma_start3A_51, %dma_start3A_52] : memref<2x40x128xi32, #tpu.memory_space<hbm>> -> memref<1x40x128xi32, #tpu.memory_space<hbm>>
        %dma_start3A_54 = tpu.memref_squeeze %dma_start3A_53 : memref<1x40x128xi32, #tpu.memory_space<hbm>> -> memref<40x128xi32, #tpu.memory_space<hbm>>
        %dma_start3A_55 = arith.constant 0 : i32
        %dma_start3A_56 = arith.constant 0 : i32
        %dma_start3A_57 = arith.constant 0 : i32
        %dma_start3A_58 = tpu.memref_slice %arg4[%add3A, %dma_start3A_55, %dma_start3A_56, %dma_start3A_57] : memref<32x2x40x128xi32, #tpu.memory_space<hbm>> -> memref<1x2x40x128xi32, #tpu.memory_space<hbm>>
        %dma_start3A_59 = tpu.memref_squeeze %dma_start3A_58 : memref<1x2x40x128xi32, #tpu.memory_space<hbm>> -> memref<2x40x128xi32, #tpu.memory_space<hbm>>
        %dma_start3A_60 = arith.constant 0 : i32
        %dma_start3A_61 = arith.constant 0 : i32
        %dma_start3A_62 = tpu.memref_slice %dma_start3A_59[%scan3A_30, %dma_start3A_60, %dma_start3A_61] : memref<2x40x128xi32, #tpu.memory_space<hbm>> -> memref<1x40x128xi32, #tpu.memory_space<hbm>>
        %dma_start3A_63 = tpu.memref_squeeze %dma_start3A_62 : memref<1x40x128xi32, #tpu.memory_space<hbm>> -> memref<40x128xi32, #tpu.memory_space<hbm>>
        tpu.enqueue_dma source(%dma_start3A_63 : memref<40x128xi32, #tpu.memory_space<hbm>>) target(%arg7 : memref<40x128xi32, #tpu.memory_space<vmem>>) target_semaphore(%run_scoped3A : memref<!tpu.dma_semaphore, #tpu.memory_space<semaphore_mem>>)
        %dma_wait3A = arith.constant 0 : i32
        %dma_wait3A_64 = arith.constant 0 : i32
        %dma_wait3A_65 = arith.constant 0 : i32
        %dma_wait3A_66 = tpu.memref_slice %arg4[%add3A, %dma_wait3A, %dma_wait3A_64, %dma_wait3A_65] : memref<32x2x40x128xi32, #tpu.memory_space<hbm>> -> memref<1x2x40x128xi32, #tpu.memory_space<hbm>>
        %dma_wait3A_67 = tpu.memref_squeeze %dma_wait3A_66 : memref<1x2x40x128xi32, #tpu.memory_space<hbm>> -> memref<2x40x128xi32, #tpu.memory_space<hbm>>
        %dma_wait3A_68 = arith.constant 0 : i32
        %dma_wait3A_69 = arith.constant 0 : i32
        %dma_wait3A_70 = tpu.memref_slice %dma_wait3A_67[%scan3A_30, %dma_wait3A_68, %dma_wait3A_69] : memref<2x40x128xi32, #tpu.memory_space<hbm>> -> memref<1x40x128xi32, #tpu.memory_space<hbm>>
        %dma_wait3A_71 = tpu.memref_squeeze %dma_wait3A_70 : memref<1x40x128xi32, #tpu.memory_space<hbm>> -> memref<40x128xi32, #tpu.memory_space<hbm>>
        %dma_wait3A_72 = arith.constant 0 : i32
        %dma_wait3A_73 = arith.constant 0 : i32
        %dma_wait3A_74 = arith.constant 0 : i32
        %dma_wait3A_75 = tpu.memref_slice %arg4[%add3A, %dma_wait3A_72, %dma_wait3A_73, %dma_wait3A_74] : memref<32x2x40x128xi32, #tpu.memory_space<hbm>> -> memref<1x2x40x128xi32, #tpu.memory_space<hbm>>
        %dma_wait3A_76 = tpu.memref_squeeze %dma_wait3A_75 : memref<1x2x40x128xi32, #tpu.memory_space<hbm>> -> memref<2x40x128xi32, #tpu.memory_space<hbm>>
        %dma_wait3A_77 = arith.constant 0 : i32
        %dma_wait3A_78 = arith.constant 0 : i32
        %dma_wait3A_79 = tpu.memref_slice %dma_wait3A_76[%scan3A_30, %dma_wait3A_77, %dma_wait3A_78] : memref<2x40x128xi32, #tpu.memory_space<hbm>> -> memref<1x40x128xi32, #tpu.memory_space<hbm>>
        %dma_wait3A_80 = tpu.memref_squeeze %dma_wait3A_79 : memref<1x40x128xi32, #tpu.memory_space<hbm>> -> memref<40x128xi32, #tpu.memory_space<hbm>>
        tpu.wait_dma2 semaphore(%run_scoped3A : memref<!tpu.dma_semaphore, #tpu.memory_space<semaphore_mem>>) src(%dma_wait3A_80 : memref<40x128xi32, #tpu.memory_space<hbm>>) dst(%arg7 : memref<40x128xi32, #tpu.memory_space<vmem>>)
        tpu.yield
      }) : () -> ()
      %dma_start3A = arith.constant 0 : i32
      %dma_start3A_32 = arith.constant 0 : i32
      %dma_start3A_33 = tpu.memref_slice %arg6[%dma_start3A, %dma_start3A_32] : memref<40x128xi32, #tpu.memory_space<vmem>> -> memref<1x128xi32, #tpu.memory_space<vmem>>
      %dma_start3A_34 = tpu.memref_squeeze %dma_start3A_33 : memref<1x128xi32, #tpu.memory_space<vmem>> -> memref<128xi32, #tpu.memory_space<vmem>>
      %dma_start3A_35 = arith.constant 0 : i32
      %dma_start3A_36 = arith.constant 0 : i32
      %dma_start3A_37 = tpu.memref_slice %arg2[%dma_start3A_35, %dma_start3A_36] : memref<10000x128xf32, #tpu.memory_space<hbm>> -> memref<10000x128xf32, #tpu.memory_space<hbm>>
      tpu.enqueue_indirect_dma source(%dma_start3A_37 : memref<10000x128xf32, #tpu.memory_space<hbm>>) target(%arg8 : memref<128x128xf32, #tpu.memory_space<vmem>>) offsets(%dma_start3A_34 : memref<128xi32, #tpu.memory_space<vmem>>) semaphore(%arg11 : memref<!tpu.dma_semaphore, #tpu.memory_space<semaphore_mem>>)
      %scan3A_38 = arith.constant 0 : i32
      %scan3A_39 = arith.constant 0 : i32
      %scan3A_40 = arith.constant 20 : i32
      %scan3A_41 = arith.addi %scan3A_39, %scan3A_40 : i32
      %scan3A_42 = arith.constant 1 : i32
      %scan3A_43 = scf.for %scan3A_46 = %scan3A_39 to %scan3A_41 step %scan3A_42 iter_args(%scan3A_47 = %scan3A_38) -> (i32)  : i32 {
        %mul3A_48 = arith.constant 2 : i32
        %mul3A_49 = arith.muli %mul3A_48, %scan3A_46 : i32
        %dma_wait3A = arith.constant 0 : i32
        %dma_wait3A_50 = tpu.memref_slice %arg6[%mul3A_49, %dma_wait3A] : memref<40x128xi32, #tpu.memory_space<vmem>> -> memref<1x128xi32, #tpu.memory_space<vmem>>
        %dma_wait3A_51 = tpu.memref_squeeze %dma_wait3A_50 : memref<1x128xi32, #tpu.memory_space<vmem>> -> memref<128xi32, #tpu.memory_space<vmem>>
        %dma_wait3A_52 = arith.constant 0 : i32
        %dma_wait3A_53 = arith.constant 0 : i32
        %dma_wait3A_54 = tpu.memref_slice %arg2[%dma_wait3A_52, %dma_wait3A_53] : memref<10000x128xf32, #tpu.memory_space<hbm>> -> memref<10000x128xf32, #tpu.memory_space<hbm>>
        tpu.wait_indirect_dma semaphore(%arg11 : memref<!tpu.dma_semaphore, #tpu.memory_space<semaphore_mem>>) src(%dma_wait3A_54 : memref<10000x128xf32, #tpu.memory_space<hbm>>) dst(%arg8 : memref<128x128xf32, #tpu.memory_space<vmem>>)
        %add3A_55 = arith.constant 1 : i32
        %add3A_56 = arith.addi %mul3A_49, %add3A_55 : i32
        %dma_start3A_57 = arith.constant 0 : i32
        %dma_start3A_58 = tpu.memref_slice %arg6[%add3A_56, %dma_start3A_57] : memref<40x128xi32, #tpu.memory_space<vmem>> -> memref<1x128xi32, #tpu.memory_space<vmem>>
        %dma_start3A_59 = tpu.memref_squeeze %dma_start3A_58 : memref<1x128xi32, #tpu.memory_space<vmem>> -> memref<128xi32, #tpu.memory_space<vmem>>
        %dma_start3A_60 = arith.constant 0 : i32
        %dma_start3A_61 = arith.constant 0 : i32
        %dma_start3A_62 = tpu.memref_slice %arg2[%dma_start3A_60, %dma_start3A_61] : memref<10000x128xf32, #tpu.memory_space<hbm>> -> memref<10000x128xf32, #tpu.memory_space<hbm>>
        tpu.enqueue_indirect_dma source(%dma_start3A_62 : memref<10000x128xf32, #tpu.memory_space<hbm>>) target(%arg9 : memref<128x128xf32, #tpu.memory_space<vmem>>) offsets(%dma_start3A_59 : memref<128xi32, #tpu.memory_space<vmem>>) semaphore(%arg12 : memref<!tpu.dma_semaphore, #tpu.memory_space<semaphore_mem>>)
        "tpu.region"() ({
          %run_scoped3A = tpu.sem_alloc : memref<!tpu.dma_semaphore, #tpu.memory_space<semaphore_mem>>
          %dma_start3A_78 = arith.constant 0 : i32
          %dma_start3A_79 = tpu.memref_slice %arg7[%mul3A_49, %dma_start3A_78] : memref<40x128xi32, #tpu.memory_space<vmem>> -> memref<1x128xi32, #tpu.memory_space<vmem>>
          %dma_start3A_80 = tpu.memref_squeeze %dma_start3A_79 : memref<1x128xi32, #tpu.memory_space<vmem>> -> memref<128xi32, #tpu.memory_space<vmem>>
          %dma_start3A_81 = arith.constant 0 : i32
          %dma_start3A_82 = arith.constant 0 : i32
          %dma_start3A_83 = tpu.memref_slice %arg10[%dma_start3A_81, %dma_start3A_82] : memref<10240x128xf32, #tpu.memory_space<vmem_shared>> -> memref<10240x128xf32, #tpu.memory_space<vmem_shared>>
          tpu.enqueue_indirect_dma source(%arg8 : memref<128x128xf32, #tpu.memory_space<vmem>>) target(%dma_start3A_83 : memref<10240x128xf32, #tpu.memory_space<vmem_shared>>) offsets(%dma_start3A_80 : memref<128xi32, #tpu.memory_space<vmem>>) semaphore(%run_scoped3A : memref<!tpu.dma_semaphore, #tpu.memory_space<semaphore_mem>>) {add = true}
          %dma_wait3A_84 = arith.constant 0 : i32
          %dma_wait3A_85 = tpu.memref_slice %arg7[%mul3A_49, %dma_wait3A_84] : memref<40x128xi32, #tpu.memory_space<vmem>> -> memref<1x128xi32, #tpu.memory_space<vmem>>
          %dma_wait3A_86 = tpu.memref_squeeze %dma_wait3A_85 : memref<1x128xi32, #tpu.memory_space<vmem>> -> memref<128xi32, #tpu.memory_space<vmem>>
          %dma_wait3A_87 = arith.constant 0 : i32
          %dma_wait3A_88 = arith.constant 0 : i32
          %dma_wait3A_89 = tpu.memref_slice %arg10[%dma_wait3A_87, %dma_wait3A_88] : memref<10240x128xf32, #tpu.memory_space<vmem_shared>> -> memref<10240x128xf32, #tpu.memory_space<vmem_shared>>
          tpu.wait_indirect_dma semaphore(%run_scoped3A : memref<!tpu.dma_semaphore, #tpu.memory_space<semaphore_mem>>) src(%arg8 : memref<128x128xf32, #tpu.memory_space<vmem>>) dst(%dma_wait3A_89 : memref<10240x128xf32, #tpu.memory_space<vmem_shared>>)
          tpu.yield
        }) : () -> ()
        %add3A_63 = arith.constant 1 : i32
        %add3A_64 = arith.addi %mul3A_49, %add3A_63 : i32
        %dma_wait3A_65 = arith.constant 0 : i32
        %dma_wait3A_66 = tpu.memref_slice %arg6[%add3A_64, %dma_wait3A_65] : memref<40x128xi32, #tpu.memory_space<vmem>> -> memref<1x128xi32, #tpu.memory_space<vmem>>
        %dma_wait3A_67 = tpu.memref_squeeze %dma_wait3A_66 : memref<1x128xi32, #tpu.memory_space<vmem>> -> memref<128xi32, #tpu.memory_space<vmem>>
        %dma_wait3A_68 = arith.constant 0 : i32
        %dma_wait3A_69 = arith.constant 0 : i32
        %dma_wait3A_70 = tpu.memref_slice %arg2[%dma_wait3A_68, %dma_wait3A_69] : memref<10000x128xf32, #tpu.memory_space<hbm>> -> memref<10000x128xf32, #tpu.memory_space<hbm>>
        tpu.wait_indirect_dma semaphore(%arg12 : memref<!tpu.dma_semaphore, #tpu.memory_space<semaphore_mem>>) src(%dma_wait3A_70 : memref<10000x128xf32, #tpu.memory_space<hbm>>) dst(%arg9 : memref<128x128xf32, #tpu.memory_space<vmem>>)
        %add3A_71 = arith.constant 1 : i32
        %add3A_72 = arith.addi %scan3A_46, %add3A_71 : i32
        %lt3A = arith.constant 20 : i32
        %lt3A_73 = arith.cmpi slt, %add3A_72, %lt3A : i32
        %convert_element_type3A = arith.extui %lt3A_73 : i1 to i32
        %cond3A = arith.constant 0 : i32
        %cond3A_74 = arith.cmpi ne, %convert_element_type3A, %cond3A : i32
        scf.if %cond3A_74 {
          %add3A_78 = arith.constant 2 : i32
          %add3A_79 = arith.addi %mul3A_49, %add3A_78 : i32
          %dma_start3A_80 = arith.constant 0 : i32
          %dma_start3A_81 = tpu.memref_slice %arg6[%add3A_79, %dma_start3A_80] : memref<40x128xi32, #tpu.memory_space<vmem>> -> memref<1x128xi32, #tpu.memory_space<vmem>>
          %dma_start3A_82 = tpu.memref_squeeze %dma_start3A_81 : memref<1x128xi32, #tpu.memory_space<vmem>> -> memref<128xi32, #tpu.memory_space<vmem>>
          %dma_start3A_83 = arith.constant 0 : i32
          %dma_start3A_84 = arith.constant 0 : i32
          %dma_start3A_85 = tpu.memref_slice %arg2[%dma_start3A_83, %dma_start3A_84] : memref<10000x128xf32, #tpu.memory_space<hbm>> -> memref<10000x128xf32, #tpu.memory_space<hbm>>
          tpu.enqueue_indirect_dma source(%dma_start3A_85 : memref<10000x128xf32, #tpu.memory_space<hbm>>) target(%arg8 : memref<128x128xf32, #tpu.memory_space<vmem>>) offsets(%dma_start3A_82 : memref<128xi32, #tpu.memory_space<vmem>>) semaphore(%arg11 : memref<!tpu.dma_semaphore, #tpu.memory_space<semaphore_mem>>)
        } else {
        }
        %add3A_75 = arith.constant 1 : i32
        %add3A_76 = arith.addi %mul3A_49, %add3A_75 : i32
        "tpu.region"() ({
          %run_scoped3A = tpu.sem_alloc : memref<!tpu.dma_semaphore, #tpu.memory_space<semaphore_mem>>
          %dma_start3A_78 = arith.constant 0 : i32
          %dma_start3A_79 = tpu.memref_slice %arg7[%add3A_76, %dma_start3A_78] : memref<40x128xi32, #tpu.memory_space<vmem>> -> memref<1x128xi32, #tpu.memory_space<vmem>>
          %dma_start3A_80 = tpu.memref_squeeze %dma_start3A_79 : memref<1x128xi32, #tpu.memory_space<vmem>> -> memref<128xi32, #tpu.memory_space<vmem>>
          %dma_start3A_81 = arith.constant 0 : i32
          %dma_start3A_82 = arith.constant 0 : i32
          %dma_start3A_83 = tpu.memref_slice %arg10[%dma_start3A_81, %dma_start3A_82] : memref<10240x128xf32, #tpu.memory_space<vmem_shared>> -> memref<10240x128xf32, #tpu.memory_space<vmem_shared>>
          tpu.enqueue_indirect_dma source(%arg9 : memref<128x128xf32, #tpu.memory_space<vmem>>) target(%dma_start3A_83 : memref<10240x128xf32, #tpu.memory_space<vmem_shared>>) offsets(%dma_start3A_80 : memref<128xi32, #tpu.memory_space<vmem>>) semaphore(%run_scoped3A : memref<!tpu.dma_semaphore, #tpu.memory_space<semaphore_mem>>) {add = true}
          %dma_wait3A_84 = arith.constant 0 : i32
          %dma_wait3A_85 = tpu.memref_slice %arg7[%add3A_76, %dma_wait3A_84] : memref<40x128xi32, #tpu.memory_space<vmem>> -> memref<1x128xi32, #tpu.memory_space<vmem>>
          %dma_wait3A_86 = tpu.memref_squeeze %dma_wait3A_85 : memref<1x128xi32, #tpu.memory_space<vmem>> -> memref<128xi32, #tpu.memory_space<vmem>>
          %dma_wait3A_87 = arith.constant 0 : i32
          %dma_wait3A_88 = arith.constant 0 : i32
          %dma_wait3A_89 = tpu.memref_slice %arg10[%dma_wait3A_87, %dma_wait3A_88] : memref<10240x128xf32, #tpu.memory_space<vmem_shared>> -> memref<10240x128xf32, #tpu.memory_space<vmem_shared>>
          tpu.wait_indirect_dma semaphore(%run_scoped3A : memref<!tpu.dma_semaphore, #tpu.memory_space<semaphore_mem>>) src(%arg9 : memref<128x128xf32, #tpu.memory_space<vmem>>) dst(%dma_wait3A_89 : memref<10240x128xf32, #tpu.memory_space<vmem_shared>>)
          tpu.yield
        }) : () -> ()
        %scan3A_77 = arith.constant 0 : i32
        scf.yield %scan3A_77 : i32
      }
      %scan3A_44 = arith.constant 20 : i32
      %scan3A_45 = arith.constant 0 : i32
      scf.yield %scan3A_45 : i32
    }
    %scan3A_21 = arith.constant 2 : i32
    %barrier3A_22 = arith.constant 0 : index
    tpu.barrier barrier_id(%barrier3A_22)
    %scan3A_23 = arith.constant 0 : i32
    %scan3A_24 = arith.constant 0 : i32
    %scan3A_25 = arith.constant 5 : i32
    %scan3A_26 = arith.addi %scan3A_24, %scan3A_25 : i32
    %scan3A_27 = arith.constant 1 : i32
    %scan3A_28 = scf.for %scan3A_30 = %scan3A_24 to %scan3A_26 step %scan3A_27 iter_args(%scan3A_31 = %scan3A_23) -> (i32)  : i32 {
      %mul3A_32 = arith.constant 640 : i32
      %mul3A_33 = arith.muli %arg1, %mul3A_32 : i32
      %mul3A_34 = arith.constant 128 : i32
      %mul3A_35 = arith.muli %scan3A_30, %mul3A_34 : i32
      %add3A_36 = arith.addi %mul3A_33, %mul3A_35 : i32
      "tpu.region"() ({
        %run_scoped3A = tpu.sem_alloc : memref<!tpu.dma_semaphore, #tpu.memory_space<semaphore_mem>>
        %dma_start3A = arith.constant 0 : i32
        %dma_start3A_38 = arith.constant 0 : i32
        %dma_start3A_39 = tpu.memref_slice %arg8[%dma_start3A, %dma_start3A_38] : memref<128x128xf32, #tpu.memory_space<vmem>> -> memref<128x128xf32, #tpu.memory_space<vmem>>
        %dma_start3A_40 = arith.constant 0 : i32
        %dma_start3A_41 = tpu.memref_slice %arg10[%add3A_36, %dma_start3A_40] : memref<10240x128xf32, #tpu.memory_space<vmem_shared>> -> memref<128x128xf32, #tpu.memory_space<vmem_shared>>
        %dma_start3A_42 = arith.constant 0 : i32
        %dma_start3A_43 = arith.constant 0 : i32
        %dma_start3A_44 = tpu.memref_slice %arg8[%dma_start3A_42, %dma_start3A_43] : memref<128x128xf32, #tpu.memory_space<vmem>> -> memref<128x128xf32, #tpu.memory_space<vmem>>
        %dma_start3A_45 = arith.constant 0 : i32
        %dma_start3A_46 = tpu.memref_slice %arg10[%add3A_36, %dma_start3A_45] : memref<10240x128xf32, #tpu.memory_space<vmem_shared>> -> memref<128x128xf32, #tpu.memory_space<vmem_shared>>
        tpu.enqueue_dma source(%dma_start3A_46 : memref<128x128xf32, #tpu.memory_space<vmem_shared>>) target(%dma_start3A_44 : memref<128x128xf32, #tpu.memory_space<vmem>>) target_semaphore(%run_scoped3A : memref<!tpu.dma_semaphore, #tpu.memory_space<semaphore_mem>>)
        %dma_wait3A = arith.constant 0 : i32
        %dma_wait3A_47 = arith.constant 0 : i32
        %dma_wait3A_48 = tpu.memref_slice %arg8[%dma_wait3A, %dma_wait3A_47] : memref<128x128xf32, #tpu.memory_space<vmem>> -> memref<128x128xf32, #tpu.memory_space<vmem>>
        %dma_wait3A_49 = arith.constant 0 : i32
        %dma_wait3A_50 = tpu.memref_slice %arg10[%add3A_36, %dma_wait3A_49] : memref<10240x128xf32, #tpu.memory_space<vmem_shared>> -> memref<128x128xf32, #tpu.memory_space<vmem_shared>>
        %dma_wait3A_51 = arith.constant 0 : i32
        %dma_wait3A_52 = arith.constant 0 : i32
        %dma_wait3A_53 = tpu.memref_slice %arg8[%dma_wait3A_51, %dma_wait3A_52] : memref<128x128xf32, #tpu.memory_space<vmem>> -> memref<128x128xf32, #tpu.memory_space<vmem>>
        %dma_wait3A_54 = arith.constant 0 : i32
        %dma_wait3A_55 = tpu.memref_slice %arg10[%add3A_36, %dma_wait3A_54] : memref<10240x128xf32, #tpu.memory_space<vmem_shared>> -> memref<128x128xf32, #tpu.memory_space<vmem_shared>>
        tpu.wait_dma2 semaphore(%run_scoped3A : memref<!tpu.dma_semaphore, #tpu.memory_space<semaphore_mem>>) src(%dma_wait3A_55 : memref<128x128xf32, #tpu.memory_space<vmem_shared>>) dst(%dma_wait3A_53 : memref<128x128xf32, #tpu.memory_space<vmem>>)
        tpu.yield
      }) : () -> ()
      "tpu.region"() ({
        %run_scoped3A = tpu.sem_alloc : memref<!tpu.dma_semaphore, #tpu.memory_space<semaphore_mem>>
        %dma_start3A = arith.constant 0 : i32
        %dma_start3A_38 = arith.constant 0 : i32
        %dma_start3A_39 = tpu.memref_slice %arg8[%dma_start3A, %dma_start3A_38] : memref<128x128xf32, #tpu.memory_space<vmem>> -> memref<128x128xf32, #tpu.memory_space<vmem>>
        %dma_start3A_40 = arith.constant 0 : i32
        %dma_start3A_41 = arith.constant 0 : i32
        %dma_start3A_42 = tpu.memref_slice %arg5[%arg0, %dma_start3A_40, %dma_start3A_41] : memref<2x10240x128xf32, #tpu.memory_space<hbm>> -> memref<1x10240x128xf32, #tpu.memory_space<hbm>>
        %dma_start3A_43 = tpu.memref_squeeze %dma_start3A_42 : memref<1x10240x128xf32, #tpu.memory_space<hbm>> -> memref<10240x128xf32, #tpu.memory_space<hbm>>
        %dma_start3A_44 = arith.constant 0 : i32
        %dma_start3A_45 = tpu.memref_slice %dma_start3A_43[%add3A_36, %dma_start3A_44] : memref<10240x128xf32, #tpu.memory_space<hbm>> -> memref<128x128xf32, #tpu.memory_space<hbm>>
        %dma_start3A_46 = arith.constant 0 : i32
        %dma_start3A_47 = arith.constant 0 : i32
        %dma_start3A_48 = tpu.memref_slice %arg5[%arg0, %dma_start3A_46, %dma_start3A_47] : memref<2x10240x128xf32, #tpu.memory_space<hbm>> -> memref<1x10240x128xf32, #tpu.memory_space<hbm>>
        %dma_start3A_49 = tpu.memref_squeeze %dma_start3A_48 : memref<1x10240x128xf32, #tpu.memory_space<hbm>> -> memref<10240x128xf32, #tpu.memory_space<hbm>>
        %dma_start3A_50 = arith.constant 0 : i32
        %dma_start3A_51 = tpu.memref_slice %dma_start3A_49[%add3A_36, %dma_start3A_50] : memref<10240x128xf32, #tpu.memory_space<hbm>> -> memref<128x128xf32, #tpu.memory_space<hbm>>
        %dma_start3A_52 = arith.constant 0 : i32
        %dma_start3A_53 = arith.constant 0 : i32
        %dma_start3A_54 = tpu.memref_slice %arg8[%dma_start3A_52, %dma_start3A_53] : memref<128x128xf32, #tpu.memory_space<vmem>> -> memref<128x128xf32, #tpu.memory_space<vmem>>
        tpu.enqueue_dma source(%dma_start3A_54 : memref<128x128xf32, #tpu.memory_space<vmem>>) target(%dma_start3A_51 : memref<128x128xf32, #tpu.memory_space<hbm>>) target_semaphore(%run_scoped3A : memref<!tpu.dma_semaphore, #tpu.memory_space<semaphore_mem>>)
        %dma_wait3A = arith.constant 0 : i32
        %dma_wait3A_55 = arith.constant 0 : i32
        %dma_wait3A_56 = tpu.memref_slice %arg8[%dma_wait3A, %dma_wait3A_55] : memref<128x128xf32, #tpu.memory_space<vmem>> -> memref<128x128xf32, #tpu.memory_space<vmem>>
        %dma_wait3A_57 = arith.constant 0 : i32
        %dma_wait3A_58 = arith.constant 0 : i32
        %dma_wait3A_59 = tpu.memref_slice %arg5[%arg0, %dma_wait3A_57, %dma_wait3A_58] : memref<2x10240x128xf32, #tpu.memory_space<hbm>> -> memref<1x10240x128xf32, #tpu.memory_space<hbm>>
        %dma_wait3A_60 = tpu.memref_squeeze %dma_wait3A_59 : memref<1x10240x128xf32, #tpu.memory_space<hbm>> -> memref<10240x128xf32, #tpu.memory_space<hbm>>
        %dma_wait3A_61 = arith.constant 0 : i32
        %dma_wait3A_62 = tpu.memref_slice %dma_wait3A_60[%add3A_36, %dma_wait3A_61] : memref<10240x128xf32, #tpu.memory_space<hbm>> -> memref<128x128xf32, #tpu.memory_space<hbm>>
        %dma_wait3A_63 = arith.constant 0 : i32
        %dma_wait3A_64 = arith.constant 0 : i32
        %dma_wait3A_65 = tpu.memref_slice %arg5[%arg0, %dma_wait3A_63, %dma_wait3A_64] : memref<2x10240x128xf32, #tpu.memory_space<hbm>> -> memref<1x10240x128xf32, #tpu.memory_space<hbm>>
        %dma_wait3A_66 = tpu.memref_squeeze %dma_wait3A_65 : memref<1x10240x128xf32, #tpu.memory_space<hbm>> -> memref<10240x128xf32, #tpu.memory_space<hbm>>
        %dma_wait3A_67 = arith.constant 0 : i32
        %dma_wait3A_68 = tpu.memref_slice %dma_wait3A_66[%add3A_36, %dma_wait3A_67] : memref<10240x128xf32, #tpu.memory_space<hbm>> -> memref<128x128xf32, #tpu.memory_space<hbm>>
        %dma_wait3A_69 = arith.constant 0 : i32
        %dma_wait3A_70 = arith.constant 0 : i32
        %dma_wait3A_71 = tpu.memref_slice %arg8[%dma_wait3A_69, %dma_wait3A_70] : memref<128x128xf32, #tpu.memory_space<vmem>> -> memref<128x128xf32, #tpu.memory_space<vmem>>
        tpu.wait_dma2 semaphore(%run_scoped3A : memref<!tpu.dma_semaphore, #tpu.memory_space<semaphore_mem>>) src(%dma_wait3A_71 : memref<128x128xf32, #tpu.memory_space<vmem>>) dst(%dma_wait3A_68 : memref<128x128xf32, #tpu.memory_space<hbm>>)
        tpu.yield
      }) : () -> ()
      %scan3A_37 = arith.constant 0 : i32
      scf.yield %scan3A_37 : i32
    }
    %scan3A_29 = arith.constant 5 : i32
    return
  }
}

module attributes {stable_mosaic.version = 14 : i64} {
  func.func @_mm_body(%arg0: i32, %arg1: memref<1000x128xf32, #tpu.memory_space<vmem>>, %arg2: memref<128x128xf32, #tpu.memory_space<vmem>>, %arg3: memref<128x128xf32, #tpu.memory_space<vmem>>, %arg4: memref<1000x128xf32, #tpu.memory_space<vmem>>) attributes {dimension_semantics = [#tpu.dimension_semantics<arbitrary>], iteration_bounds = array<i64: 10>, scalar_prefetch = 0 : i64, scratch_operands = 0 : i64, tpu.core_type = #tpu.core_type<tc>, window_params = [{transform_indices = @transform_0, window_bounds = array<i64: 1000, 128>}, {pipeline_mode = #tpu.pipeline_mode<synchronous>, transform_indices = @transform_1, window_bounds = array<i64: 128, 128>}, {pipeline_mode = #tpu.pipeline_mode<synchronous>, transform_indices = @transform_2, window_bounds = array<i64: 128, 128>}, {transform_indices = @transform_3, window_bounds = array<i64: 1000, 128>}]} {
    %get3A = arith.constant 0 : index
    %get3A_0 = arith.constant 0 : index
    %get3A_1 = vector.load %arg1[%get3A, %get3A_0] : memref<1000x128xf32, #tpu.memory_space<vmem>>, vector<1000x128xf32>
    %get3A_2 = arith.constant 0 : index
    %get3A_3 = arith.constant 0 : index
    %get3A_4 = vector.load %arg2[%get3A_2, %get3A_3] : memref<128x128xf32, #tpu.memory_space<vmem>>, vector<128x128xf32>
    %dot_general3A = arith.constant dense<0.000000e+00> : vector<1000x128xf32>
    %dot_general3A_5 = tpu.matmul %get3A_1, %get3A_4, %dot_general3A {dimension_numbers = #tpu.dot_dimension_numbers<[1], [1], [0], [0], [0, 0, 1, 0], [], []>, transpose_lhs_hint = false} : vector<1000x128xf32>, vector<128x128xf32>, vector<1000x128xf32> -> vector<1000x128xf32>
    %max3A = arith.constant 0.000000e+00 : f32
    %max3A_6 = vector.broadcast %max3A : f32 to vector<1000x128xf32>
    %max3A_7 = arith.maximumf %dot_general3A_5, %max3A_6 : vector<1000x128xf32>
    %get3A_8 = arith.constant 0 : index
    %get3A_9 = arith.constant 0 : index
    %get3A_10 = vector.load %arg3[%get3A_8, %get3A_9] : memref<128x128xf32, #tpu.memory_space<vmem>>, vector<128x128xf32>
    %dot_general3A_11 = arith.constant dense<0.000000e+00> : vector<1000x128xf32>
    %dot_general3A_12 = tpu.matmul %max3A_7, %get3A_10, %dot_general3A_11 {dimension_numbers = #tpu.dot_dimension_numbers<[1], [1], [0], [0], [0, 0, 1, 0], [], []>, transpose_lhs_hint = false} : vector<1000x128xf32>, vector<128x128xf32>, vector<1000x128xf32> -> vector<1000x128xf32>
    %swap3A = arith.constant 0 : index
    %swap3A_13 = arith.constant 0 : index
    %swap3A_14 = vector.load %arg4[%swap3A, %swap3A_13] : memref<1000x128xf32, #tpu.memory_space<vmem>>, vector<1000x128xf32>
    tpu.vector_store %arg4[%swap3A, %swap3A_13], %dot_general3A_12 {strides = array<i32>} : memref<1000x128xf32, #tpu.memory_space<vmem>>, vector<1000x128xf32>,
    return
  }
  func.func @transform_0(%arg0: i32) -> (i32, i32) {
    %c0_i32 = arith.constant 0 : i32
    %c0_i32_0 = arith.constant 0 : i32
    return %arg0, %c0_i32 : i32, i32
  }
  func.func @transform_1(%arg0: i32) -> (i32, i32) {
    %c0_i32 = arith.constant 0 : i32
    %c0_i32_0 = arith.constant 0 : i32
    %c0_i32_1 = arith.constant 0 : i32
    return %c0_i32, %c0_i32_0 : i32, i32
  }
  func.func @transform_2(%arg0: i32) -> (i32, i32) {
    %c0_i32 = arith.constant 0 : i32
    %c0_i32_0 = arith.constant 0 : i32
    %c0_i32_1 = arith.constant 0 : i32
    return %c0_i32, %c0_i32_0 : i32, i32
  }
  func.func @transform_3(%arg0: i32) -> (i32, i32) {
    %c0_i32 = arith.constant 0 : i32
    %c0_i32_0 = arith.constant 0 : i32
    return %arg0, %c0_i32 : i32, i32
  }
}

module attributes {stable_mosaic.version = 14 : i64} {
  func.func @_pad_body(%arg0: i32, %arg1: memref<2x1x1x10000xi32, #tpu.memory_space<vmem>>, %arg2: memref<2x1x1x10240xi32, #tpu.memory_space<vmem>>) attributes {dimension_semantics = [#tpu.dimension_semantics<arbitrary>], iteration_bounds = array<i64: 32>, scalar_prefetch = 0 : i64, scratch_operands = 0 : i64, tpu.core_type = #tpu.core_type<tc>, window_params = [{transform_indices = @transform_0, window_bounds = array<i64: 2, 1, 1, 10000>}, {transform_indices = @transform_1, window_bounds = array<i64: 2, 1, 1, 10240>}]} {
    %get3A = arith.constant 0 : index
    %get3A_0 = arith.constant 0 : index
    %get3A_1 = arith.constant 0 : index
    %get3A_2 = arith.constant 0 : index
    %get3A_3 = vector.load %arg1[%get3A, %get3A_0, %get3A_1, %get3A_2] : memref<2x1x1x10000xi32, #tpu.memory_space<vmem>>, vector<2x1x1x10000xi32>
    %get3A_4 = vector.shape_cast %get3A_3 : vector<2x1x1x10000xi32> to vector<2x10000xi32>
    %swap3A = arith.constant 0 : index
    %swap3A_5 = arith.constant 0 : index
    %swap3A_6 = arith.constant 0 : index
    %swap3A_7 = arith.constant 0 : index
    %swap3A_8 = vector.load %arg2[%swap3A, %swap3A_5, %swap3A_6, %swap3A_7] : memref<2x1x1x10240xi32, #tpu.memory_space<vmem>>, vector<2x1x1x10000xi32>
    %swap3A_9 = vector.shape_cast %swap3A_8 : vector<2x1x1x10000xi32> to vector<2x10000xi32>
    %swap3A_10 = vector.shape_cast %get3A_4 : vector<2x10000xi32> to vector<2x1x1x10000xi32>
    tpu.vector_store %arg2[%swap3A, %swap3A_5, %swap3A_6, %swap3A_7], %swap3A_10 {strides = array<i32>} : memref<2x1x1x10240xi32, #tpu.memory_space<vmem>>, vector<2x1x1x10000xi32>,
    %iota3A = tpu.iota {dimensions = array<i32: 1>} : vector<1x240xi32>
    %jit3A = arith.constant 10000 : i32
    %eq3A = arith.constant 0 : i32
    %eq3A_11 = arith.cmpi eq, %jit3A, %eq3A : i32
    %jit3A_12 = arith.constant 1 : i32
    %select_n3A = arith.select %eq3A_11, %jit3A_12, %jit3A : i32
    %rem3A = vector.broadcast %select_n3A : i32 to vector<1x240xi32>
    %rem3A_13 = arith.remsi %iota3A, %rem3A : vector<1x240xi32>
    %ne3A = arith.constant 0 : i32
    %ne3A_14 = vector.broadcast %ne3A : i32 to vector<1x240xi32>
    %ne3A_15 = arith.cmpi ne, %rem3A_13, %ne3A_14 : vector<1x240xi32>
    %lt3A = arith.constant 0 : i32
    %lt3A_16 = vector.broadcast %lt3A : i32 to vector<1x240xi32>
    %lt3A_17 = arith.cmpi slt, %rem3A_13, %lt3A_16 : vector<1x240xi32>
    %lt3A_18 = arith.constant 0 : i32
    %lt3A_19 = arith.cmpi slt, %select_n3A, %lt3A_18 : i32
    %ne3A_20 = vector.broadcast %lt3A_19 : i1 to vector<1x240xi1>
    %ne3A_21 = vector.broadcast %ne3A_20 : vector<1x240xi1> to vector<1x240xi1>
    %ne3A_22 = arith.xori %lt3A_17, %ne3A_21 : vector<1x240xi1>
    %and3A = arith.andi %ne3A_22, %ne3A_15 : vector<1x240xi1>
    %add3A = vector.broadcast %select_n3A : i32 to vector<1x240xi32>
    %add3A_23 = arith.addi %rem3A_13, %add3A : vector<1x240xi32>
    %select_n3A_24 = arith.select %and3A, %add3A_23, %rem3A_13 : vector<1x240xi1>, vector<1x240xi32>
    %swap3A_25 = arith.constant 0 : index
    %swap3A_26 = arith.constant 0 : index
    %swap3A_27 = arith.constant 0 : index
    %swap3A_28 = arith.constant 10000 : index
    %swap3A_29 = vector.load %arg2[%swap3A_25, %swap3A_26, %swap3A_27, %swap3A_28] : memref<2x1x1x10240xi32, #tpu.memory_space<vmem>>, vector<1x1x1x240xi32>
    %swap3A_30 = vector.shape_cast %swap3A_29 : vector<1x1x1x240xi32> to vector<1x240xi32>
    %swap3A_31 = vector.shape_cast %select_n3A_24 : vector<1x240xi32> to vector<1x1x1x240xi32>
    tpu.vector_store %arg2[%swap3A_25, %swap3A_26, %swap3A_27, %swap3A_28], %swap3A_31 {strides = array<i32>} : memref<2x1x1x10240xi32, #tpu.memory_space<vmem>>, vector<1x1x1x240xi32>,
    %jit3A_32 = arith.constant 240 : i32
    %eq3A_33 = arith.constant 0 : i32
    %eq3A_34 = arith.cmpi eq, %jit3A_32, %eq3A_33 : i32
    %jit3A_35 = arith.constant 1 : i32
    %select_n3A_36 = arith.select %eq3A_34, %jit3A_35, %jit3A_32 : i32
    %rem3A_37 = vector.broadcast %select_n3A_36 : i32 to vector<1x240xi32>
    %rem3A_38 = arith.remsi %iota3A, %rem3A_37 : vector<1x240xi32>
    %ne3A_39 = arith.constant 0 : i32
    %ne3A_40 = vector.broadcast %ne3A_39 : i32 to vector<1x240xi32>
    %ne3A_41 = arith.cmpi ne, %rem3A_38, %ne3A_40 : vector<1x240xi32>
    %lt3A_42 = arith.constant 0 : i32
    %lt3A_43 = vector.broadcast %lt3A_42 : i32 to vector<1x240xi32>
    %lt3A_44 = arith.cmpi slt, %rem3A_38, %lt3A_43 : vector<1x240xi32>
    %lt3A_45 = arith.constant 0 : i32
    %lt3A_46 = arith.cmpi slt, %select_n3A_36, %lt3A_45 : i32
    %ne3A_47 = vector.broadcast %lt3A_46 : i1 to vector<1x240xi1>
    %ne3A_48 = vector.broadcast %ne3A_47 : vector<1x240xi1> to vector<1x240xi1>
    %ne3A_49 = arith.xori %lt3A_44, %ne3A_48 : vector<1x240xi1>
    %and3A_50 = arith.andi %ne3A_49, %ne3A_41 : vector<1x240xi1>
    %add3A_51 = vector.broadcast %select_n3A_36 : i32 to vector<1x240xi32>
    %add3A_52 = arith.addi %rem3A_38, %add3A_51 : vector<1x240xi32>
    %select_n3A_53 = arith.select %and3A_50, %add3A_52, %rem3A_38 : vector<1x240xi1>, vector<1x240xi32>
    %add3A_54 = arith.constant 10000 : i32
    %add3A_55 = vector.broadcast %add3A_54 : i32 to vector<1x240xi32>
    %add3A_56 = arith.addi %add3A_55, %select_n3A_53 : vector<1x240xi32>
    %swap3A_57 = arith.constant 1 : index
    %swap3A_58 = arith.constant 0 : index
    %swap3A_59 = arith.constant 0 : index
    %swap3A_60 = arith.constant 10000 : index
    %swap3A_61 = vector.load %arg2[%swap3A_57, %swap3A_58, %swap3A_59, %swap3A_60] : memref<2x1x1x10240xi32, #tpu.memory_space<vmem>>, vector<1x1x1x240xi32>
    %swap3A_62 = vector.shape_cast %swap3A_61 : vector<1x1x1x240xi32> to vector<1x240xi32>
    %swap3A_63 = vector.shape_cast %add3A_56 : vector<1x240xi32> to vector<1x1x1x240xi32>
    tpu.vector_store %arg2[%swap3A_57, %swap3A_58, %swap3A_59, %swap3A_60], %swap3A_63 {strides = array<i32>} : memref<2x1x1x10240xi32, #tpu.memory_space<vmem>>, vector<1x1x1x240xi32>,
    return
  }
  func.func @transform_0(%arg0: i32) -> (i32, i32, i32, i32) {
    %c0_i32 = arith.constant 0 : i32
    %c0_i32_0 = arith.constant 0 : i32
    %c0_i32_1 = arith.constant 0 : i32
    %c0_i32_2 = arith.constant 0 : i32
    return %c0_i32, %arg0, %c0_i32_0, %c0_i32_1 : i32, i32, i32, i32
  }
  func.func @transform_1(%arg0: i32) -> (i32, i32, i32, i32) {
    %c0_i32 = arith.constant 0 : i32
    %c0_i32_0 = arith.constant 0 : i32
    %c0_i32_1 = arith.constant 0 : i32
    %c0_i32_2 = arith.constant 0 : i32
    return %c0_i32, %arg0, %c0_i32_0, %c0_i32_1 : i32, i32, i32, i32
  }
}

module attributes {stable_mosaic.version = 14 : i64} {
  func.func @_norm_body(%arg0: i32, %arg1: memref<2x1000x128xf32, #tpu.memory_space<vmem>>, %arg2: memref<1000x128xf32, #tpu.memory_space<vmem>>) attributes {dimension_semantics = [#tpu.dimension_semantics<arbitrary>], iteration_bounds = array<i64: 10>, scalar_prefetch = 0 : i64, scratch_operands = 0 : i64, tpu.core_type = #tpu.core_type<tc>, window_params = [{transform_indices = @transform_0, window_bounds = array<i64: 2, 1000, 128>}, {transform_indices = @transform_1, window_bounds = array<i64: 1000, 128>}]} {
    %get3A = arith.constant 0 : index
    %get3A_0 = arith.constant 0 : index
    %get3A_1 = arith.constant 0 : index
    %get3A_2 = vector.load %arg1[%get3A, %get3A_0, %get3A_1] : memref<2x1000x128xf32, #tpu.memory_space<vmem>>, vector<1x1000x128xf32>
    %get3A_3 = vector.shape_cast %get3A_2 : vector<1x1000x128xf32> to vector<1000x128xf32>
    %get3A_4 = arith.constant 1 : index
    %get3A_5 = arith.constant 0 : index
    %get3A_6 = arith.constant 0 : index
    %get3A_7 = vector.load %arg1[%get3A_4, %get3A_5, %get3A_6] : memref<2x1000x128xf32, #tpu.memory_space<vmem>>, vector<1x1000x128xf32>
    %get3A_8 = vector.shape_cast %get3A_7 : vector<1x1000x128xf32> to vector<1000x128xf32>
    %add3A = arith.addf %get3A_3, %get3A_8 : vector<1000x128xf32>
    %mul3A = arith.mulf %add3A, %add3A : vector<1000x128xf32>
    %reduce_sum3A = arith.constant dense<0.000000e+00> : vector<1000xf32>
    %reduce_sum3A_9 = vector.multi_reduction <add>, %mul3A, %reduce_sum3A [1] : vector<1000x128xf32> to vector<1000xf32>
    %broadcast_in_dim3A = vector.shape_cast %reduce_sum3A_9 : vector<1000xf32> to vector<1000x1xf32>
    %sqrt3A = math.sqrt %broadcast_in_dim3A : vector<1000x1xf32>
    %div3A = vector.broadcast %sqrt3A : vector<1000x1xf32> to vector<1000x128xf32>
    %div3A_10 = arith.divf %add3A, %div3A : vector<1000x128xf32>
    %swap3A = arith.constant 0 : index
    %swap3A_11 = arith.constant 0 : index
    %swap3A_12 = vector.load %arg2[%swap3A, %swap3A_11] : memref<1000x128xf32, #tpu.memory_space<vmem>>, vector<1000x128xf32>
    tpu.vector_store %arg2[%swap3A, %swap3A_11], %div3A_10 {strides = array<i32>} : memref<1000x128xf32, #tpu.memory_space<vmem>>, vector<1000x128xf32>,
    return
  }
  func.func @transform_0(%arg0: i32) -> (i32, i32, i32) {
    %c0_i32 = arith.constant 0 : i32
    %c0_i32_0 = arith.constant 0 : i32
    %c0_i32_1 = arith.constant 0 : i32
    return %c0_i32, %arg0, %c0_i32_0 : i32, i32, i32
  }
  func.func @transform_1(%arg0: i32) -> (i32, i32) {
    %c0_i32 = arith.constant 0 : i32
    %c0_i32_0 = arith.constant 0 : i32
    return %arg0, %c0_i32 : i32, i32
  }
}

</mosaic_0001>

<sc_bundles>
// kernel: kernel.6.cloned.1.call-start
scs
__scs_entry_jumppad:
0x0: {  	(pc) =	sbr.rel $0x88, $3  }
0x1: {  	(tag) =	ssettag $0x0;
	lr =	simm.s32 $0x1  }
0x2: {  	[smem:$0x3F9D] =	sst lr;
	_ =	strace $0xD0000000  }
0x3: {  	_ = 	snop  }
0x4: {  	_ = 	snop  }
0x5: {  	_ = 	snop  }
0x6: {  	_ = 	snop  }
0x7: {  	_ = 	snop  }
__scs_overlays_trampoline_lowered:
0x8: {  	[smem:$0x3FAC] =	sst s0  }
0x9: {  	[smem:$0x3FAD] =	sst s1  }
0xa: {  	[smem:$0x3FAE] =	sst s2  }
0xb: {  	[smem:$0x3FAF] =	sst s3  }
0xc: {  	[smem:$0x3FB0] =	sst s4  }
0xd: {  	[smem:$0x3FB1] =	sst s5  }
0xe: {  	[smem:$0x3FB2] =	sst s6  }
0xf: {  	[smem:$0x3FB3] =	sst s7  }
0x10: {  	[smem:$0x3FB4] =	sst s8  }
0x11: {  	[smem:$0x3FB5] =	sst s9;
	s0 =	simm.s32 @!p0 $0x0  }
0x12: {  	s1 =	sld [smem:$0x3F9B];
	s0 =	simm.s32 @p0 $0x1  }
0x13: {  	[smem:$0x3FB6] =	sst s0;
	s0 =	simm.s32 @!p1 $0x0  }
0x14: {  	s2 =	sld [smem:$0x3F9A];
	s0 =	simm.s32 @p1 $0x1  }
0x15: {  	[smem:$0x3FB7] =	sst s0;
	s0 =	simm.s32 @!p2 $0x0  }
0x16: {  	s3 =	sld [smem:$0x3FDB];
	s0 =	simm.s32 @p2 $0x1  }
0x17: {  	s4 =	simm.s32 $0x1BF5;
	[smem:$0x3FB9] =	sst s0  }
0x18: {  	s0 =	sld [smem:$0x3F9C];
	_ =	swait.ge [sflag:s4], $0x0  }
0x19: {  	s7 =	sld [smem:$0x3F9D]  }
0x1a: {  	s8 =	sadd.s32 $0xFFFFE003, lr  }
0x1b: {  	s9 =	sadd.s32 $0xFFFFFEF7, lr;
	s5 =	simm.s32 $0xFFFFFFFF;
	p2 =	slt.u32 s8, $0xFFFFF086  }
0x1c: {  	p1 =	slt.u32 s9, $0xF7A;
	s5 =	simm.s32 @!p2 $0x0  }
0x1d: {  	s5 =	simm.s32 @p1 $0x1;
	p0 =	seq.s32 s7, s2  }
0x1e: {  	s7 =	smul.u32 @!p0 $0xF7A, s2;
	p2 =	seq.s32 @!p0 s5, $0x0  }
0x1f: {  	s9 =	smul.u32 $0xF7A, s1;
	s8 =	simm.s32 @!p0 $0x1BF5;
	p2 =	por !p2, p0  }
0x20: {  	[sflag:s8] =	ssyncset.s32 @!p0 $0xFFFFF086;
	s6 =	sadd.s32 @!p0 s3, s7;
	s7 =	simm.s32 @!p0 $0x108  }
0x21: {  	s3 =	sadd.s32 s3, s9;
	s6 =	sadd.s32 @!p0 $0x88, s6;
	s7 =	simm.s32 @p2 $0x1082  }
0x22: {  	[simem:s7], [sflag:s8] =	dma.local @!p0 [hbm:s6], $0xF7A  }
0x23: {  	s9 =	sor.u32 $0xD0000000, s2;
	s6 =	simm.s32 $0x108;
	_ =	swait.ge @!p0 [sflag:s8], $0x0  }
0x24: {  	s3 =	sadd.s32 $0x88, s3;
	s6 =	simm.s32 @!p1 $0x1082;
	[sflag:s4] =	ssyncset.s32 $0xFFFFF086  }
0x25: {  	[simem:s6], [sflag:s4] =	dma.local [hbm:s3], $0xF7A  }
0x26: {  	[smem:$0x3F9D] =	sst s1;
	(tag) =	ssettag s2;
	_ =	strace s9  }
0x27: {  	s1 =	sld [smem:$0x3FAD]  }
0x28: {  	s2 =	sld [smem:$0x3FAE]  }
0x29: {  	s4 =	sld [smem:$0x3FB0]  }
0x2a: {  	p0 =	seq.s32 s5, $0x0;
	s5 =	sld [smem:$0x3FB1]  }
0x2b: {  	s6 =	sld [smem:$0x3FB2]  }
0x2c: {  	s7 =	sld [smem:$0x3FB3]  }
0x2d: {  	s3 =	simm.s32 $0x108;
	s8 =	sld [smem:$0x3FB4]  }
0x2e: {  	s3 =	simm.s32 @!p0 $0x1082;
	s9 =	sld [smem:$0x3FB5]  }
0x2f: {  	lr =	sadd.s32 s0, s3;
	s0 =	sld [smem:$0x3FAC]  }
0x30: {  	s3 =	sld [smem:$0x3FAF]  }
0x31: {  	[smem:$0x3FB8] =	sst s10  }
0x32: {  	s10 =	sld [smem:$0x3FB6];
	_ =	sdelay $0x3  }
0x33: {  	p0 =	seq.s32 s10, $0x1;
	s10 =	sld [smem:$0x3FB8];
	_ =	sdelay $0x3  }
0x34: {  	[smem:$0x3FB8] =	sst s10  }
0x35: {  	s10 =	sld [smem:$0x3FB7];
	_ =	sdelay $0x3  }
0x36: {  	p1 =	seq.s32 s10, $0x1;
	s10 =	sld [smem:$0x3FB8];
	_ =	sdelay $0x3  }
0x37: {  	[smem:$0x3FB8] =	sst s10  }
0x38: {  	s10 =	sld [smem:$0x3FB9]  }
0x39: {  	_ = 	snop;
	(pc) =	sbr.ind lr, $3  }
0x3a: {  	_ = 	snop  }
0x3b: {  	_ = 	snop  }
0x3c: {  	p2 =	seq.s32 s10, $0x1;
	s10 =	sld [smem:$0x3FB8]  }
0x3d: {  	_ =	shalt  }
0x3e: {  	_ =	shalt  }
0x3f: {  	_ =	shalt  }
0x40: {  	_ =	shalt  }
0x41: {  	_ =	shalt  }
0x42: {  	_ =	shalt  }
0x43: {  	_ =	shalt  }
0x44: {  	_ =	shalt  }
0x45: {  	_ =	shalt  }
0x46: {  	_ =	shalt  }
0x47: {  	_ =	shalt  }
0x48: {  	_ =	shalt  }
0x49: {  	_ =	shalt  }
0x4a: {  	_ =	shalt  }
0x4b: {  	_ =	shalt  }
0x4c: {  	_ =	shalt  }
0x4d: {  	_ =	shalt  }
0x4e: {  	_ =	shalt  }
0x4f: {  	_ =	shalt  }
0x50: {  	_ =	shalt  }
0x51: {  	_ =	shalt  }
0x52: {  	_ =	shalt  }
0x53: {  	_ =	shalt  }
0x54: {  	_ =	shalt  }
0x55: {  	_ =	shalt  }
0x56: {  	_ =	shalt  }
0x57: {  	_ =	shalt  }
0x58: {  	_ =	shalt  }
0x59: {  	_ =	shalt  }
0x5a: {  	_ =	shalt  }
0x5b: {  	_ =	shalt  }
0x5c: {  	_ =	shalt  }
0x5d: {  	_ =	shalt  }
0x5e: {  	_ =	shalt  }
0x5f: {  	_ =	shalt  }
0x60: {  	_ =	shalt  }
0x61: {  	_ =	shalt  }
0x62: {  	_ =	shalt  }
0x63: {  	_ =	shalt  }
0x64: {  	_ =	shalt  }
0x65: {  	_ =	shalt  }
0x66: {  	_ =	shalt  }
0x67: {  	_ =	shalt  }
0x68: {  	_ =	shalt  }
0x69: {  	_ =	shalt  }
0x6a: {  	_ =	shalt  }
0x6b: {  	_ =	shalt  }
0x6c: {  	_ =	shalt  }
0x6d: {  	_ =	shalt  }
0x6e: {  	_ =	shalt  }
0x6f: {  	_ =	shalt  }
0x70: {  	_ =	shalt  }
0x71: {  	_ =	shalt  }
0x72: {  	_ =	shalt  }
0x73: {  	_ =	shalt  }
0x74: {  	_ =	shalt  }
0x75: {  	_ =	shalt  }
0x76: {  	_ =	shalt  }
0x77: {  	_ =	shalt  }
0x78: {  	_ =	shalt  }
0x79: {  	_ =	shalt  }
0x7a: {  	_ =	shalt  }
0x7b: {  	_ =	shalt  }
0x7c: {  	_ =	shalt  }
0x7d: {  	_ =	shalt  }
0x7e: {  	_ =	shalt  }
0x7f: {  	_ =	shalt  }
0x80: {  	_ =	shalt  }
0x81: {  	_ =	shalt  }
0x82: {  	_ =	shalt  }
0x83: {  	_ =	shalt  }
0x84: {  	_ =	shalt  }
0x85: {  	_ =	shalt  }
0x86: {  	_ =	shalt  }
0x87: {  	_ =	shalt  }
.Lfunc_end0:
.L_simem_size_0:
called_computation_lowered:
.L_overlay_start_0:
0x88: {  	s2 =	sld [smem:$0x3FD9]  }
0x89: {  	s3 =	sld [smem:$0x3FFE];
	_ =	sdelay $0x1  }
0x8a: {  	s1 =	srdreg.scid  }
0x8b: {  	s0 =	sand.u32 $0x1, s1  }
0x8c: {  	s17 =	sshll.u32 s0, $0xA;
	s2 =	sadd.s32 s3, s2  }
0x8d: {  	s2 =	sadd.s32 s2, s17  }
0x8e: {  	[smem:$0x3FC4] =	sst s2  }
0x8f: {  	_ = 	snop  }
0x90: {  	s2 =	sld [smem:$0x3FD0];
	(tm) =	ssettm $0x1  }
0x91: {  	s18 =	sld [smem:$0x3FFB];
	_ =	sdelay $0x3  }
0x92: {  	_ =	strace s18  }
0x93: {  	s3 =	sld [smem:$0x3FFC];
	_ =	sdelay $0x3  }
0x94: {  	_ =	strace s3  }
0x95: {  	s3 =	sld [smem:$0x3FFD];
	_ =	sdelay $0x3  }
0x96: {  	_ =	strace s3  }
0x97: {  	_ =	strace $0x8FFFFFFF  }
0x98: {  	s19 =	sld [smem:$0x3FDB];
	_ =	sdelay $0x1  }
0x99: {  	s4 =	simm.s32 $_scs_section_size  }
0x9a: {  	s5 =	simm.s32 $_size__tile_overlayer_lowered;
	s6 =	simm.s32 $_tile_overlayer_lowered  }
0x9b: {  	s22 =	simm.s32 $0x1BFF;
	s21 =	sshll.u32 s6, $0x1;
	s3 =	sadd.s32 s4, s19  }
0x9c: {  	s7 =	simm.s32 $0x0;
	s20 =	sshll.u32 s5, $0x1;
	s5 =	sadd.s32 s21, s3  }
0x9d: {  	[timem:s7], [sflag:s22] =	dma.local [hbm:s5], s20  }
0x9e: {  	_ =	swait.ge [sflag:s22], s20  }
0x9f: {  	s4 =	ssub.s32 $0x0, s20;
	[sflag:s22] =	ssyncset.done $0x0  }
0xa0: {  	[sflag:s22] =	ssyncadd.s32 s4;
	_ =	sdelay $0x1  }
0xa1: {  	s23 =	simm.s32 $0x1B8B  }
0xa2: {  	_ =	swait.ge [sflag:s23], $0x1  }
0xa3: {  	[sflag:s23] =	ssyncset.done $0x0  }
0xa4: {  	s25 =	simm.s32 $0x1B8E;
	s24 =	sld [smem:$0x3FFE];
	[sflag:s23] =	ssyncadd.s32 $0xFFFFFFFF  }
0xa5: {  	s26 =	simm.s32 $execute0_lowered;
	[smem:$0x3FD2] =	sst s25  }
0xa6: {  	s5 =	sshll.u32 s26, $0x1;
	_ =	strace $0x80000046;
	[dreg:$0x1] =	wrdreg $0xFFFFFFFF  }
0xa7: {  	s28 =	simm.s32 $_size_execute0_lowered;
	s3 =	sadd.s32 s3, s5;
	[dreg:$0x0] =	wrdreg $0x0  }
0xa8: {  	s5 =	sshll.u32 s28, $0x1;
	[dreg:$0x2] =	wrdreg s3  }
0xa9: {  	[dreg:$0x3] =	wrdreg s5  }
0xaa: {  	[dreg:$0x4] =	wrdreg $0xC0  }
0xab: {  	_ =	task [dreg:s7], $0x5FFFF  }
0xac: {  	[dreg:$0x1] =	wrdreg $0xFFFFFFFF  }
0xad: {  	[dreg:$0x0] =	wrdreg $0x60  }
0xae: {  	[dreg:$0x2] =	wrdreg s2  }
0xaf: {  	[dreg:$0x3] =	wrdreg s24  }
0xb0: {  	[dreg:$0x4] =	wrdreg $0xA8000  }
0xb1: {  	[dreg:$0x5] =	wrdreg $0x9  }
0xb2: {  	_ =	task.clear_ibuf [dreg:s7], $0x6FFFF;
	_ =	strace $0x90000046  }
0xb3: {  	s29 =	simm.s32 $0x9;
	_ =	strace $0x80000048  }
0xb4: {  	_ =	swait.ge [sflag:s29], $0x1  }
0xb5: {  	[sflag:s29] =	ssyncadd.s32 $0xFFFFFFFF  }
0xb6: {  	_ =	strace $0x90000048  }
0xb7: {  	_ =	sfence  }
0xb8: {  	s30 =	sld [smem:$0x0];
	_ =	sdelay $0x2  }
0xb9: {  	s31 =	sshll.u32 s1, $0xD;
	s1 =	sshrl.u32 s1, $0x2  }
0xba: {  	s3 =	sand.u32 $0x4000, s31;
	s1 =	sadd.s32 s1, s30  }
0xbb: {  	s0 =	sor.u32 s3, s0;
	s1 =	sshll.u32 s1, $0x11  }
0xbc: {  	s0 =	sor.u32 s1, s0  }
0xbd: {  	s0 =	sadd.s32 $0x8F2B, s0  }
0xbe: {  	[sflag:s0] =	ssyncadd.remote.s32 $0x1  }
0xbf: {  	_ =	sfence.sel $0xFFFF  }
0xc0: {  	[dreg:$0x0] =	wrdreg $0xFFFFFFFF;
	(pc) =	sbr.abs _section_cstart, $3  }
0xc1: {  	[dreg:$0x1] =	wrdreg $0xFFFFFFFF  }
0xc2: {  	_ =	task.clear_ibuf [dreg:s7], $0x2FFFF;
	_ =	strace $0x9FFFFFFF  }
0xc3: {  	(tm) =	ssettm $0x7FFFFFFF  }
tec
execute0_lowered:
.L_overlay_start_1:
0x0: {  	(tag) =	ssettag $0x1  }
0x1: {  	s0 =	srdreg.scid;
	s1 =	rddreg [dreg:$0x0]  }
0x2: {  	s2 =	rddreg [dreg:$0x1];
	s11 =	stileid.u32  }
0x3: {  	s3 =	rddreg [dreg:$0x2];
	s17 =	simm.s32 $0x2800;
	s6 =	smul.u32 $0x50000, s11  }
0x4: {  	s28 =	simm.s32 $0x6800;
	s29 =	simm.s32 $0x2;
	s19 =	smul.u32 $0x280, s11  }
0x5: {  	s30 =	simm.s32 $0x1380;
	s0 =	sand.u32 $0x1, s0;
	s20 =	smul.u32 $0x2800, s11  }
0x6: {  	s31 =	simm.s32 $0x2700;
	s4 =	sshll.u32 s0, $0x4;
	s7 =	smul.u32 $0x28000, s0  }
0x7: {  	s0 =	ssub.s32 $0x2, s0;
	s5 =	sor.u32 s11, s4;
	s4 =	simm.s32 $0x0  }
0x8: {  	s18 =	sshrl.u32 s0, $0x1;
	s6 =	sshrl.u32 s6, $0x2;
	s24 =	sadd.s32 $0x80, s19  }
0x9: {  	s10 =	sadd.s32 $0x100, s19;
	s26 =	sadd.s32 $0x180, s19;
	s5 =	smul.u32 $0x500, s5  }
0xa: {  	[smem:$0x7FF] =	sst s4;
	s0 =	ssub.s32 s0, s18;
	s9 =	sshll.u32 s24, $0x7  }
0xb: {  	s25 =	sshll.u32 s10, $0x7;
	s10 =	sshll.u32 s10, $0x4;
	s15 =	sshll.u32 s26, $0x7  }
0xc: {  	s18 =	simm.s32 $0x3;
	_ =	strace $0x80000047;
	s0 =	smax.u32 s0, $0x1  }
0xd: {  	s13 =	sadd.s32 s9, s3;
	s14 =	sadd.s32 s25, s3;
	s15 =	sadd.s32 s15, s3  }
0xe: {  	s9 =	sshll.u32 s26, $0x4;
	s25 =	simm.s32 $0x80;
	s26 =	simm.s32 $0x1  }
0xf: {  	s8 =	sadd.s32 s5, s2;
	s2 =	sadd.s32 s7, s2;
	s5 =	sadd.s32 s6, s3  }
0x10: {  	[dreg:$0x4] =	wrdreg s0;
	s0 =	sshll.u32 s24, $0x4;
	s6 =	sadd.s32 $0xB600, s8  }
0x11: {  	s7 =	sadd.s32 $0x1600, s8;
	s2 =	sadd.s32 $0x15600, s2;
	s21 =	sadd.s32 $0x4000, s5  }
0x12: {  	s22 =	sadd.s32 $0x8000, s5;
	s23 =	sadd.s32 $0xC000, s5;
	[dreg:$0x5] =	wrdreg s21  }
0x13: {  	s12 =	sadd.s32 $0x10000, s5;
	s8 =	sadd.s32 $0x200, s19;
	[dreg:$0x6] =	wrdreg s22  }
0x14: {  	s19 =	simm.s32 $0x1400;
	[dreg:$0x7] =	wrdreg s23;
	s16 =	sshll.u32 s8, $0x7  }
0x15: {  	s8 =	sshll.u32 s8, $0x4;
	s20 =	sadd.s32 s20, s2;
	s21 =	sadd.s32 s0, s2  }
0x16: {  	s22 =	sadd.s32 s10, s2;
	s23 =	sadd.s32 s9, s2;
	s0 =	simm.s32 $0x0  }
0x17: {  	v0 =	vimm.f32 $0.0e+00;
	s16 =	sadd.s32 s16, s3;
	s24 =	sadd.s32 s8, s2;
	s2 =	simm.s32 $0x2780  }
.LBB2_1:
0x18: {  	s8 =	sand.u32 $0xFE00, s4  }
0x19: {  	s9 =	sand.u32 $0x70, s4;
	s10 =	sshrl.u32 s8, $0x2  }
0x1a: {  	s8 =	simm.s32 $0x40;
	s10 =	sor.u32 s9, s10;
	s9 =	simm.s32 $0x0  }
.LBB2_2:
0x1b: {  	p0 =	sne.s32 s8, $0xFFC0  }
0x1c: {  	[tilespmem:s10+$0x2800] =	vst v0;
	s9 =	sadd.s32 $0x10, s9;
	s10 =	smov.u32 s8;
	s8 =	sadd.s32 $0x40, s8  }
.Ltmp0:
0x1d: {  	(pc) =	sbr.rel @p0 .LBB2_2-.Ltmp0, $4  }
0x1e: {  	_ = 	snop  }
0x1f: {  	s10 =	sand.u32 $0xFE00, s10  }
0x20: {  	s11 =	sand.u32 $0x70, s9;
	s10 =	sshrl.u32 s10, $0x2  }
0x21: {  	s10 =	sor.u32 s11, s10  }
0x22: {  	[tilespmem:s10+$0x2800] =	vst v0  }
0x23: {  	[spmem:s5] =	stream.linear.scatter [tilespmem:s17], [sflag:$0x3], $0x4000, $0x38;
	[tilespmem:$0x1E800] =	vst v63  }
0x24: {  	_ =	swait.ge [sflag:s18], $0x4000  }
0x25: {  	[sflag:s18] =	ssyncset.done $0x0  }
0x26: {  	s8 =	rddreg [dreg:$0x5];
	[sflag:s18] =	ssyncadd.s32 $0xFFFFC000  }
0x27: {  	[spmem:s8] =	stream.linear.scatter [tilespmem:s17], [sflag:$0x3], $0x4000, $0x38;
	[tilespmem:$0x1E800] =	vst v63  }
0x28: {  	_ =	swait.ge [sflag:s18], $0x4000  }
0x29: {  	[sflag:s18] =	ssyncset.done $0x0  }
0x2a: {  	s11 =	rddreg [dreg:$0x6];
	[sflag:s18] =	ssyncadd.s32 $0xFFFFC000  }
0x2b: {  	[spmem:s11] =	stream.linear.scatter [tilespmem:s17], [sflag:$0x3], $0x4000, $0x38;
	[tilespmem:$0x1E800] =	vst v63  }
0x2c: {  	_ =	swait.ge [sflag:s18], $0x4000  }
0x2d: {  	[sflag:s18] =	ssyncset.done $0x0  }
0x2e: {  	s9 =	rddreg [dreg:$0x7];
	[sflag:s18] =	ssyncadd.s32 $0xFFFFC000  }
0x2f: {  	[spmem:s9] =	stream.linear.scatter [tilespmem:s17], [sflag:$0x3], $0x4000, $0x38;
	[tilespmem:$0x1E800] =	vst v63  }
0x30: {  	_ =	swait.ge [sflag:s18], $0x4000  }
0x31: {  	[sflag:s18] =	ssyncset.done $0x0  }
0x32: {  	[sflag:s18] =	ssyncadd.s32 $0xFFFFC000  }
0x33: {  	[spmem:s12] =	stream.linear.scatter [tilespmem:s17], [sflag:$0x3], $0x4000, $0x38;
	[tilespmem:$0x1E800] =	vst v63  }
0x34: {  	_ =	swait.ge [sflag:s18], $0x4000  }
0x35: {  	[sflag:s18] =	ssyncset.done $0x0  }
0x36: {  	[sflag:s18] =	ssyncadd.s32 $0xFFFFC000  }
0x37: {  	s10 =	simm.s32 $0x0;
	[bflag:$0x0] =	sbarrier.arrive $0xFFFF  }
0x38: {  	[tilespmem:s10], [sflag:$0x3] =	stream.linear.gather [hbm4b:s6+s10], $0x1400, $0x38;
	[tilespmem:$0x1E800] =	vst v63  }
0x39: {  	_ =	swait.ge [sflag:s18], $0x1400  }
0x3a: {  	[sflag:s18] =	ssyncset.done $0x0  }
0x3b: {  	[sflag:s18] =	ssyncadd.s32 $0xFFFFEC00  }
0x3c: {  	[tilespmem:s19], [sflag:$0x3] =	stream.linear.gather [hbm4b:s7+s10], $0x1400, $0x38;
	[tilespmem:$0x1E800] =	vst v63  }
0x3d: {  	_ =	swait.ge [sflag:s18], $0x1400  }
0x3e: {  	[sflag:s18] =	ssyncset.done $0x0  }
0x3f: {  	[sflag:s18] =	ssyncadd.s32 $0xFFFFEC00  }
0x40: {  	[tilespmem:s17], [sflag:$0x1] =	stream.indirect.gather [hbm4b:s1+s25], $0x80, s10, s25, $0xb8;
	[tilespmem:$0x1E800] =	vst v63  }
0x41: {  	_ =	swait.ge [sflag:s26], $0x4000  }
0x42: {  	[sflag:s26] =	ssyncset.done $0x0  }
0x43: {  	s11 =	simm.s32 $0x80;
	[sflag:s26] =	ssyncadd.s32 $0xFFFFC000  }
0x44: {  	[tilespmem:s28], [sflag:$0x2] =	stream.indirect.gather [hbm4b:s1+s25], $0x80, s11, s25, $0xb8;
	[tilespmem:$0x1E800] =	vst v63  }
0x45: {  	s9 =	simm.s32 $0x1400  }
0x46: {  	[spmem:s3] =	stream.indirect.scatter.add.f32 [tilespmem:s17], [sflag:$0x3], $0x80, s9, s25, $0xb8;
	[tilespmem:$0x1E800] =	vst v63  }
0x47: {  	_ =	swait.ge [sflag:s18], $0x4000  }
0x48: {  	[sflag:s18] =	ssyncset.done $0x0  }
0x49: {  	[sflag:s18] =	ssyncadd.s32 $0xFFFFC000  }
0x4a: {  	_ =	swait.ge [sflag:s29], $0x4000  }
0x4b: {  	[sflag:s29] =	ssyncset.done $0x0  }
0x4c: {  	s10 =	simm.s32 $0x100;
	[sflag:s29] =	ssyncadd.s32 $0xFFFFC000  }
0x4d: {  	[tilespmem:s17], [sflag:$0x1] =	stream.indirect.gather [hbm4b:s1+s25], $0x80, s10, s25, $0xb8;
	[tilespmem:$0x1E800] =	vst v63  }
0x4e: {  	s11 =	simm.s32 $0x1480  }
0x4f: {  	[spmem:s3] =	stream.indirect.scatter.add.f32 [tilespmem:s28], [sflag:$0x3], $0x80, s11, s25, $0xb8;
	[tilespmem:$0x1E800] =	vst v63  }
0x50: {  	_ =	swait.ge [sflag:s18], $0x4000  }
0x51: {  	s8 =	simm.s32 $0x400;
	[sflag:s18] =	ssyncset.done $0x0  }
.LBB2_4:
0x52: {  	p0 =	sne.s32 s8, $0x4800  }
0x53: {  	[sflag:s18] =	ssyncadd.s32 $0xFFFFC000;
	s9 =	smov.u32 s8;
	s8 =	sadd.s32 $0x400, s8  }
0x54: {  	_ = 	snop  }
0x55: {  	_ =	swait.ge [sflag:s26], $0x4000  }
0x56: {  	s9 =	sshra.s32 s9, $0x2;
	[sflag:s26] =	ssyncset.done $0x0  }
0x57: {  	s10 =	sadd.s32 $0x80, s9;
	[sflag:s26] =	ssyncadd.s32 $0xFFFFC000  }
0x58: {  	[tilespmem:s28], [sflag:$0x2] =	stream.indirect.gather [hbm4b:s1+s25], $0x80, s10, s25, $0xb8;
	[tilespmem:$0x1E800] =	vst v63  }
0x59: {  	s10 =	sadd.s32 $0x1400, s9  }
0x5a: {  	[spmem:s3] =	stream.indirect.scatter.add.f32 [tilespmem:s17], [sflag:$0x3], $0x80, s10, s25, $0xb8;
	[tilespmem:$0x1E800] =	vst v63  }
0x5b: {  	_ =	swait.ge [sflag:s18], $0x4000  }
0x5c: {  	[sflag:s18] =	ssyncset.done $0x0  }
0x5d: {  	[sflag:s18] =	ssyncadd.s32 $0xFFFFC000  }
0x5e: {  	_ =	swait.ge [sflag:s29], $0x4000  }
0x5f: {  	[sflag:s29] =	ssyncset.done $0x0  }
0x60: {  	s10 =	sadd.s32 $0x100, s9;
	[sflag:s29] =	ssyncadd.s32 $0xFFFFC000  }
0x61: {  	[tilespmem:s17], [sflag:$0x1] =	stream.indirect.gather [hbm4b:s1+s25], $0x80, s10, s25, $0xb8;
	[tilespmem:$0x1E800] =	vst v63  }
.Ltmp1:
0x62: {  	_ = 	snop;
	(pc) =	sbr.rel @p0 .LBB2_4-.Ltmp1, $4  }
0x63: {  	s9 =	sadd.s32 $0x1480, s9  }
0x64: {  	[spmem:s3] =	stream.indirect.scatter.add.f32 [tilespmem:s28], [sflag:$0x3], $0x80, s9, s25, $0xb8;
	[tilespmem:$0x1E800] =	vst v63  }
0x65: {  	_ =	swait.ge [sflag:s18], $0x4000  }
0x66: {  	[sflag:s18] =	ssyncset.done $0x0  }
0x67: {  	[sflag:s18] =	ssyncadd.s32 $0xFFFFC000  }
0x68: {  	_ =	swait.ge [sflag:s26], $0x4000  }
0x69: {  	[sflag:s26] =	ssyncset.done $0x0  }
0x6a: {  	[sflag:s26] =	ssyncadd.s32 $0xFFFFC000  }
0x6b: {  	[tilespmem:s28], [sflag:$0x2] =	stream.indirect.gather [hbm4b:s1+s25], $0x80, s30, s25, $0xb8;
	[tilespmem:$0x1E800] =	vst v63  }
0x6c: {  	_ = 	snop  }
0x6d: {  	[spmem:s3] =	stream.indirect.scatter.add.f32 [tilespmem:s17], [sflag:$0x3], $0x80, s31, s25, $0xb8;
	[tilespmem:$0x1E800] =	vst v63  }
0x6e: {  	_ =	swait.ge [sflag:s18], $0x4000  }
0x6f: {  	[sflag:s18] =	ssyncset.done $0x0  }
0x70: {  	[sflag:s18] =	ssyncadd.s32 $0xFFFFC000  }
0x71: {  	_ =	swait.ge [sflag:s29], $0x4000  }
0x72: {  	[sflag:s29] =	ssyncset.done $0x0  }
0x73: {  	[sflag:s29] =	ssyncadd.s32 $0xFFFFC000  }
0x74: {  	[spmem:s3] =	stream.indirect.scatter.add.f32 [tilespmem:s28], [sflag:$0x3], $0x80, s2, s25, $0xb8;
	[tilespmem:$0x1E800] =	vst v63  }
0x75: {  	_ =	swait.ge [sflag:s18], $0x4000  }
0x76: {  	[sflag:s18] =	ssyncset.done $0x0  }
0x77: {  	s8 =	sadd.s32 $0x280, s6;
	s9 =	simm.s32 $0x0;
	[sflag:s18] =	ssyncadd.s32 $0xFFFFC000  }
0x78: {  	[tilespmem:s9], [sflag:$0x3] =	stream.linear.gather [hbm4b:s8+s9], $0x1400, $0x38;
	[tilespmem:$0x1E800] =	vst v63  }
0x79: {  	_ =	swait.ge [sflag:s18], $0x1400  }
0x7a: {  	[sflag:s18] =	ssyncset.done $0x0  }
0x7b: {  	s10 =	sadd.s32 $0x280, s7;
	[sflag:s18] =	ssyncadd.s32 $0xFFFFEC00  }
0x7c: {  	[tilespmem:s19], [sflag:$0x3] =	stream.linear.gather [hbm4b:s10+s9], $0x1400, $0x38;
	[tilespmem:$0x1E800] =	vst v63  }
0x7d: {  	_ =	swait.ge [sflag:s18], $0x1400  }
0x7e: {  	[sflag:s18] =	ssyncset.done $0x0  }
0x7f: {  	[sflag:s18] =	ssyncadd.s32 $0xFFFFEC00  }
0x80: {  	[tilespmem:s17], [sflag:$0x1] =	stream.indirect.gather [hbm4b:s1+s25], $0x80, s9, s25, $0xb8;
	[tilespmem:$0x1E800] =	vst v63  }
0x81: {  	_ =	swait.ge [sflag:s26], $0x4000  }
0x82: {  	[sflag:s26] =	ssyncset.done $0x0  }
0x83: {  	s11 =	simm.s32 $0x80;
	[sflag:s26] =	ssyncadd.s32 $0xFFFFC000  }
0x84: {  	[tilespmem:s28], [sflag:$0x2] =	stream.indirect.gather [hbm4b:s1+s25], $0x80, s11, s25, $0xb8;
	[tilespmem:$0x1E800] =	vst v63  }
0x85: {  	s9 =	simm.s32 $0x1400  }
0x86: {  	[spmem:s3] =	stream.indirect.scatter.add.f32 [tilespmem:s17], [sflag:$0x3], $0x80, s9, s25, $0xb8;
	[tilespmem:$0x1E800] =	vst v63  }
0x87: {  	_ =	swait.ge [sflag:s18], $0x4000  }
0x88: {  	[sflag:s18] =	ssyncset.done $0x0  }
0x89: {  	[sflag:s18] =	ssyncadd.s32 $0xFFFFC000  }
0x8a: {  	_ =	swait.ge [sflag:s29], $0x4000  }
0x8b: {  	[sflag:s29] =	ssyncset.done $0x0  }
0x8c: {  	s10 =	simm.s32 $0x100;
	[sflag:s29] =	ssyncadd.s32 $0xFFFFC000  }
0x8d: {  	[tilespmem:s17], [sflag:$0x1] =	stream.indirect.gather [hbm4b:s1+s25], $0x80, s10, s25, $0xb8;
	[tilespmem:$0x1E800] =	vst v63  }
0x8e: {  	s11 =	simm.s32 $0x1480  }
0x8f: {  	[spmem:s3] =	stream.indirect.scatter.add.f32 [tilespmem:s28], [sflag:$0x3], $0x80, s11, s25, $0xb8;
	[tilespmem:$0x1E800] =	vst v63  }
0x90: {  	_ =	swait.ge [sflag:s18], $0x4000  }
0x91: {  	s8 =	simm.s32 $0x400;
	[sflag:s18] =	ssyncset.done $0x0  }
.LBB2_6:
0x92: {  	p0 =	sne.s32 s8, $0x4800  }
0x93: {  	[sflag:s18] =	ssyncadd.s32 $0xFFFFC000;
	s9 =	smov.u32 s8;
	s8 =	sadd.s32 $0x400, s8  }
0x94: {  	_ = 	snop  }
0x95: {  	_ =	swait.ge [sflag:s26], $0x4000  }
0x96: {  	s9 =	sshra.s32 s9, $0x2;
	[sflag:s26] =	ssyncset.done $0x0  }
0x97: {  	s10 =	sadd.s32 $0x80, s9;
	[sflag:s26] =	ssyncadd.s32 $0xFFFFC000  }
0x98: {  	[tilespmem:s28], [sflag:$0x2] =	stream.indirect.gather [hbm4b:s1+s25], $0x80, s10, s25, $0xb8;
	[tilespmem:$0x1E800] =	vst v63  }
0x99: {  	s10 =	sadd.s32 $0x1400, s9  }
0x9a: {  	[spmem:s3] =	stream.indirect.scatter.add.f32 [tilespmem:s17], [sflag:$0x3], $0x80, s10, s25, $0xb8;
	[tilespmem:$0x1E800] =	vst v63  }
0x9b: {  	_ =	swait.ge [sflag:s18], $0x4000  }
0x9c: {  	[sflag:s18] =	ssyncset.done $0x0  }
0x9d: {  	[sflag:s18] =	ssyncadd.s32 $0xFFFFC000  }
0x9e: {  	_ =	swait.ge [sflag:s29], $0x4000  }
0x9f: {  	[sflag:s29] =	ssyncset.done $0x0  }
0xa0: {  	s10 =	sadd.s32 $0x100, s9;
	[sflag:s29] =	ssyncadd.s32 $0xFFFFC000  }
0xa1: {  	[tilespmem:s17], [sflag:$0x1] =	stream.indirect.gather [hbm4b:s1+s25], $0x80, s10, s25, $0xb8;
	[tilespmem:$0x1E800] =	vst v63  }
.Ltmp2:
0xa2: {  	_ = 	snop;
	(pc) =	sbr.rel @p0 .LBB2_6-.Ltmp2, $4  }
0xa3: {  	s9 =	sadd.s32 $0x1480, s9  }
0xa4: {  	[spmem:s3] =	stream.indirect.scatter.add.f32 [tilespmem:s28], [sflag:$0x3], $0x80, s9, s25, $0xb8;
	[tilespmem:$0x1E800] =	vst v63  }
0xa5: {  	_ =	swait.ge [sflag:s18], $0x4000  }
0xa6: {  	[sflag:s18] =	ssyncset.done $0x0  }
0xa7: {  	[sflag:s18] =	ssyncadd.s32 $0xFFFFC000  }
0xa8: {  	_ =	swait.ge [sflag:s26], $0x4000  }
0xa9: {  	[sflag:s26] =	ssyncset.done $0x0  }
0xaa: {  	[sflag:s26] =	ssyncadd.s32 $0xFFFFC000  }
0xab: {  	[tilespmem:s28], [sflag:$0x2] =	stream.indirect.gather [hbm4b:s1+s25], $0x80, s30, s25, $0xb8;
	[tilespmem:$0x1E800] =	vst v63  }
0xac: {  	_ = 	snop  }
0xad: {  	[spmem:s3] =	stream.indirect.scatter.add.f32 [tilespmem:s17], [sflag:$0x3], $0x80, s31, s25, $0xb8;
	[tilespmem:$0x1E800] =	vst v63  }
0xae: {  	_ =	swait.ge [sflag:s18], $0x4000  }
0xaf: {  	[sflag:s18] =	ssyncset.done $0x0  }
0xb0: {  	[sflag:s18] =	ssyncadd.s32 $0xFFFFC000  }
0xb1: {  	_ =	swait.ge [sflag:s29], $0x4000  }
0xb2: {  	[sflag:s29] =	ssyncset.done $0x0  }
0xb3: {  	[sflag:s29] =	ssyncadd.s32 $0xFFFFC000  }
0xb4: {  	[spmem:s3] =	stream.indirect.scatter.add.f32 [tilespmem:s28], [sflag:$0x3], $0x80, s2, s25, $0xb8;
	[tilespmem:$0x1E800] =	vst v63  }
0xb5: {  	_ =	swait.ge [sflag:s18], $0x4000  }
0xb6: {  	[sflag:s18] =	ssyncset.done $0x0  }
0xb7: {  	[sflag:s18] =	ssyncadd.s32 $0xFFFFC000  }
0xb8: {  	[bflag:$0x0] =	sbarrier.arrive $0xFFFF  }
0xb9: {  	[tilespmem:s17], [sflag:$0x3] =	stream.linear.gather [spmem:s5], $0x4000, $0x38;
	[tilespmem:$0x1E800] =	vst v63  }
0xba: {  	_ =	swait.ge [sflag:s18], $0x4000  }
0xbb: {  	[sflag:s18] =	ssyncset.done $0x0  }
0xbc: {  	[sflag:s18] =	ssyncadd.s32 $0xFFFFC000  }
0xbd: {  	[hbm4b:s20+s4] =	stream.linear.scatter [tilespmem:s17], [sflag:$0x3], $0x4000, $0x38;
	[tilespmem:$0x1E800] =	vst v63  }
0xbe: {  	_ =	swait.ge [sflag:s18], $0x4000  }
0xbf: {  	[sflag:s18] =	ssyncset.done $0x0  }
0xc0: {  	[sflag:s18] =	ssyncadd.s32 $0xFFFFC000  }
0xc1: {  	[tilespmem:s17], [sflag:$0x3] =	stream.linear.gather [spmem:s13], $0x4000, $0x38;
	[tilespmem:$0x1E800] =	vst v63  }
0xc2: {  	_ =	swait.ge [sflag:s18], $0x4000  }
0xc3: {  	[sflag:s18] =	ssyncset.done $0x0  }
0xc4: {  	[sflag:s18] =	ssyncadd.s32 $0xFFFFC000  }
0xc5: {  	[hbm4b:s21+s4] =	stream.linear.scatter [tilespmem:s17], [sflag:$0x3], $0x4000, $0x38;
	[tilespmem:$0x1E800] =	vst v63  }
0xc6: {  	_ =	swait.ge [sflag:s18], $0x4000  }
0xc7: {  	[sflag:s18] =	ssyncset.done $0x0  }
0xc8: {  	[sflag:s18] =	ssyncadd.s32 $0xFFFFC000  }
0xc9: {  	[tilespmem:s17], [sflag:$0x3] =	stream.linear.gather [spmem:s14], $0x4000, $0x38;
	[tilespmem:$0x1E800] =	vst v63  }
0xca: {  	_ =	swait.ge [sflag:s18], $0x4000  }
0xcb: {  	[sflag:s18] =	ssyncset.done $0x0  }
0xcc: {  	[sflag:s18] =	ssyncadd.s32 $0xFFFFC000  }
0xcd: {  	[hbm4b:s22+s4] =	stream.linear.scatter [tilespmem:s17], [sflag:$0x3], $0x4000, $0x38;
	[tilespmem:$0x1E800] =	vst v63  }
0xce: {  	_ =	swait.ge [sflag:s18], $0x4000  }
0xcf: {  	[sflag:s18] =	ssyncset.done $0x0  }
0xd0: {  	[sflag:s18] =	ssyncadd.s32 $0xFFFFC000  }
0xd1: {  	[tilespmem:s17], [sflag:$0x3] =	stream.linear.gather [spmem:s15], $0x4000, $0x38;
	[tilespmem:$0x1E800] =	vst v63  }
0xd2: {  	_ =	swait.ge [sflag:s18], $0x4000  }
0xd3: {  	[sflag:s18] =	ssyncset.done $0x0  }
0xd4: {  	[sflag:s18] =	ssyncadd.s32 $0xFFFFC000  }
0xd5: {  	[hbm4b:s23+s4] =	stream.linear.scatter [tilespmem:s17], [sflag:$0x3], $0x4000, $0x38;
	[tilespmem:$0x1E800] =	vst v63  }
0xd6: {  	_ =	swait.ge [sflag:s18], $0x4000  }
0xd7: {  	[sflag:s18] =	ssyncset.done $0x0  }
0xd8: {  	[sflag:s18] =	ssyncadd.s32 $0xFFFFC000  }
0xd9: {  	[tilespmem:s17], [sflag:$0x3] =	stream.linear.gather [spmem:s16], $0x4000, $0x38;
	[tilespmem:$0x1E800] =	vst v63  }
0xda: {  	_ =	swait.ge [sflag:s18], $0x4000  }
0xdb: {  	[sflag:s18] =	ssyncset.done $0x0  }
0xdc: {  	[sflag:s18] =	ssyncadd.s32 $0xFFFFC000  }
0xdd: {  	[hbm4b:s24+s4] =	stream.linear.scatter [tilespmem:s17], [sflag:$0x3], $0x4000, $0x38;
	[tilespmem:$0x1E800] =	vst v63  }
0xde: {  	_ =	swait.ge [sflag:s18], $0x4000  }
0xdf: {  	s0 =	sadd.s32 $0x1, s0;
	s8 =	rddreg [dreg:$0x4]  }
0xe0: {  	p0 =	sne.s32 s0, s8  }
.Ltmp3:
0xe1: {  	_ = 	snop;
	(pc) =	sbr.rel @p0 .LBB2_1-.Ltmp3, $3  }
0xe2: {  	_ =	sdelay $0x1  }
0xe3: {  	[sflag:s18] =	ssyncset.done $0x0  }
0xe4: {  	[sflag:s18] =	ssyncadd.s32 $0xFFFFC000  }
0xe5: {  	_ =	sfence.sel $0x180000  }
0xe6: {  	[bflag:$0x0] =	sbarrier.arrive $0xFFFF  }
0xe7: {  	_ =	strace $0x90000047  }
0xe8: {  	s0 =	stileid.u32;
	[bflag:$0x2] =	sbarrier.arrive $0xFFFF  }
0xe9: {  	p0 =	sne.s32 s0, $0x0;
	s0 =	rddreg [dreg:$0x3]  }
0xea: {  	s0 =	sadd.s32 @!p0 $0x100000, s0  }
0xeb: {  	[sflag:s0] =	ssyncadd.tile.s32 @!p0 $0x1;
	_ =	shalt  }
.Lfunc_end2:
_tile_overlayer_lowered:
.L_overlay_start_2:
0xec: {  	(tag) =	ssettag $0x2  }
0xed: {  	s0 =	rddreg [dreg:$0x0];
	s2 =	stileid.u32  }
0xee: {  	s1 =	rddreg [dreg:$0x1];
	p0 =	sne.s32 s2, $0x0  }
0xef: {  	s3 =	rddreg [dreg:$0x2];
	[bflag:$0x3] =	sbarrier.arrive $0xFFFF;
	s2 =	simm.s32 @!p0 $0x1C03  }
0xf0: {  	[timem:s3], [sflag:s2] =	dma.local @!p0 [hbm:s0], s1  }
0xf1: {  	s0 =	simm.s32 @!p0 $0x3  }
0xf2: {  	_ =	swait.ge @!p0 [sflag:s0], s1  }
0xf3: {  	s1 =	ssub.s32 @!p0 $0x0, s1;
	[sflag:s0] =	ssyncset.done @!p0 $0x0  }
0xf4: {  	[sflag:s0] =	ssyncadd.s32 @!p0 s1  }
0xf5: {  	[bflag:$0x3] =	sbarrier.arrive $0xFFFF  }
0xf6: {  	_ =	shalt  }

</sc_bundles>
